<compile_context>
chip_gen: v7x
topology: tpu7x:2x2x1
jax: 0.10.2.dev20260603
libtpu: 0.0.44.dev20260713+nightly
codegen_flags: <defaults>
</compile_context>

<pallas_src>
import functools

import jax
import jax.numpy as jnp
from jax import lax
from jax.experimental import pallas as pl
from jax.experimental.pallas import tpu as pltpu
from jax.experimental.pallas import tpu_sc as plsc

N_NODES = 10000
N_EDGES = 320000
D = 128

NC = 2
NS = 16
NW = NC * NS
CHUNK = 128
E_PER_TILE = 10240
E_PAD = NW * E_PER_TILE
N_ACC = 10112
ROWS_PER_TILE = N_ACC // NS
N_CHUNKS = E_PER_TILE // CHUNK
NBUF = 2

N0_CHUNKS = 124
N1_CHUNKS = 36
NMAX_CHUNKS = max(N0_CHUNKS, N1_CHUNKS)

_vector_mesh = plsc.VectorSubcoreMesh(
    core_axis_name="c", subcore_axis_name="s", num_cores=NC, num_subcores=NS
)




@functools.partial(
    pl.kernel,
    out_type=jax.ShapeDtypeStruct((NC, N_ACC, D), jnp.float32),
    mesh=_vector_mesh,
    scratch_types=[
        pltpu.VMEM_SHARED((N_ACC, D), jnp.float32),
        pltpu.VMEM((N_CHUNKS, CHUNK), jnp.int32),
        pltpu.VMEM((CHUNK, D), jnp.float32),
        pltpu.SemaphoreType.DMA,
    ],
)
def _sc_degree(dst_hbm, ones_hbm, zeros_hbm, out_hbm, acc_sp, idx_v, ones_v, sem):
    c = lax.axis_index("c")
    s = lax.axis_index("s")
    wid = c * NS + s
    z0 = s * ROWS_PER_TILE
    pltpu.sync_copy(zeros_hbm.at[pl.ds(z0, ROWS_PER_TILE)],
                    acc_sp.at[pl.ds(z0, ROWS_PER_TILE)])
    pltpu.sync_copy(ones_hbm, ones_v)
    pltpu.sync_copy(dst_hbm.at[wid], idx_v)
    plsc.subcore_barrier()

    @pl.loop(0, N_CHUNKS)
    def _(j):
        pltpu.sync_copy(ones_v, acc_sp.at[idx_v.at[j]], add=True)

    plsc.subcore_barrier()
    pltpu.sync_copy(acc_sp.at[pl.ds(z0, ROWS_PER_TILE)],
                    out_hbm.at[c, pl.ds(z0, ROWS_PER_TILE)])


@functools.partial(
    pl.kernel,
    out_type=jax.ShapeDtypeStruct((NC, N_ACC, D), jnp.float32),
    mesh=_vector_mesh,
    scratch_types=[
        pltpu.VMEM_SHARED((N_ACC, D), jnp.float32),
        pltpu.VMEM((NBUF, CHUNK), jnp.int32),
        pltpu.VMEM((NMAX_CHUNKS, CHUNK), jnp.int32),
        pltpu.VMEM((NBUF, CHUNK, D), jnp.float32),
        pltpu.SemaphoreType.DMA,
        pltpu.SemaphoreType.DMA,
        pltpu.SemaphoreType.DMA,
        pltpu.SemaphoreType.DMA,
    ],
)
def _sc_edge_pass(y_hbm, src_hbm, dst_hbm, zeros_hbm, out_hbm,
                  acc_sp, src_v, dst_v, rows_v, s0, s1, s2, s3):
    c = lax.axis_index("c")
    s = lax.axis_index("s")
    wid = c * NS + s
    z0 = s * ROWS_PER_TILE
    pltpu.sync_copy(zeros_hbm.at[pl.ds(z0, ROWS_PER_TILE)],
                    acc_sp.at[pl.ds(z0, ROWS_PER_TILE)])
    pltpu.sync_copy(dst_hbm.at[wid], dst_v)
    plsc.subcore_barrier()

    idx_sems = [s0, s1]
    row_sems = [s2, s3]

    n_iters = lax.select(c == 0, N0_CHUNKS // NBUF, N1_CHUNKS // NBUF)

    @pl.loop(0, n_iters)
    def _(j):
        base = j * NBUF
        idx_cp = [
            pltpu.async_copy(src_hbm.at[wid, base + k], src_v.at[k],
                             idx_sems[k])
            for k in range(NBUF)
        ]
        row_cp = []
        for k in range(NBUF):
            idx_cp[k].wait()
            row_cp.append(
                pltpu.async_copy(y_hbm.at[src_v.at[k]], rows_v.at[k],
                                 row_sems[k]))
        for k in range(NBUF):
            row_cp[k].wait()
            pltpu.sync_copy(rows_v.at[k], acc_sp.at[dst_v.at[base + k]],
                            add=True)

    plsc.subcore_barrier()
    pltpu.sync_copy(acc_sp.at[pl.ds(z0, ROWS_PER_TILE)],
                    out_hbm.at[c, pl.ds(z0, ROWS_PER_TILE)])



_ROWS_BLK = 400
_GRID = N_NODES // _ROWS_BLK


def _tc_matmul_body(x_ref, w_ref, o_ref):
    o_ref[...] = jnp.dot(x_ref[...], w_ref[...],
                         preferred_element_type=jnp.float32)


def _tc_matmul(x, w):
    return pl.pallas_call(
        _tc_matmul_body,
        grid=(_GRID,),
        in_specs=[
            pl.BlockSpec((_ROWS_BLK, D), lambda i: (i, 0)),
            pl.BlockSpec((D, D), lambda i: (0, 0)),
        ],
        out_specs=pl.BlockSpec((_ROWS_BLK, D), lambda i: (i, 0)),
        out_shape=jax.ShapeDtypeStruct((N_NODES, D), jnp.float32),
    )(x, w)


def _tc_norm_body(degp_ref, xw_ref, dinv_ref, y_ref):
    deg = degp_ref[0, :, 0] + degp_ref[1, :, 0] + 1.0
    dinv = lax.rsqrt(deg)
    dinv_ref[...] = dinv[:, None]
    y_ref[...] = xw_ref[...] * dinv[:, None]


def _tc_norm(deg_parts, xw):
    return pl.pallas_call(
        _tc_norm_body,
        grid=(_GRID,),
        in_specs=[
            pl.BlockSpec((NC, _ROWS_BLK, D), lambda i: (0, i, 0)),
            pl.BlockSpec((_ROWS_BLK, D), lambda i: (i, 0)),
        ],
        out_specs=[
            pl.BlockSpec((_ROWS_BLK, 1), lambda i: (i, 0)),
            pl.BlockSpec((_ROWS_BLK, D), lambda i: (i, 0)),
        ],
        out_shape=[
            jax.ShapeDtypeStruct((N_NODES, 1), jnp.float32),
            jax.ShapeDtypeStruct((N_NODES, D), jnp.float32),
        ],
    )(deg_parts, xw)


def _tc_mid_body(accp_ref, y1_ref, dinv_ref, w_ref, b_ref, y2_ref):
    acc = accp_ref[0] + accp_ref[1] + y1_ref[...]
    h = jnp.maximum(acc * dinv_ref[...] + b_ref[...], 0.0)
    y2_ref[...] = jnp.dot(h, w_ref[...],
                          preferred_element_type=jnp.float32) * dinv_ref[...]


def _tc_mid(acc_parts, y1, dinv, w2, b1):
    return pl.pallas_call(
        _tc_mid_body,
        grid=(_GRID,),
        in_specs=[
            pl.BlockSpec((NC, _ROWS_BLK, D), lambda i: (0, i, 0)),
            pl.BlockSpec((_ROWS_BLK, D), lambda i: (i, 0)),
            pl.BlockSpec((_ROWS_BLK, 1), lambda i: (i, 0)),
            pl.BlockSpec((D, D), lambda i: (0, 0)),
            pl.BlockSpec((1, D), lambda i: (0, 0)),
        ],
        out_specs=pl.BlockSpec((_ROWS_BLK, D), lambda i: (i, 0)),
        out_shape=jax.ShapeDtypeStruct((N_NODES, D), jnp.float32),
    )(acc_parts, y1, dinv, w2, b1)


def _tc_final_body(accp_ref, y2_ref, dinv_ref, b_ref, o_ref):
    acc = accp_ref[0] + accp_ref[1] + y2_ref[...]
    o_ref[...] = acc * dinv_ref[...] + b_ref[...]


def _tc_final(acc_parts, y2, dinv, b2):
    return pl.pallas_call(
        _tc_final_body,
        grid=(_GRID,),
        in_specs=[
            pl.BlockSpec((NC, _ROWS_BLK, D), lambda i: (0, i, 0)),
            pl.BlockSpec((_ROWS_BLK, D), lambda i: (i, 0)),
            pl.BlockSpec((_ROWS_BLK, 1), lambda i: (i, 0)),
            pl.BlockSpec((1, D), lambda i: (0, 0)),
        ],
        out_specs=pl.BlockSpec((_ROWS_BLK, D), lambda i: (i, 0)),
        out_shape=jax.ShapeDtypeStruct((N_NODES, D), jnp.float32),
    )(acc_parts, y2, dinv, b2)




@jax.jit
def _run(x, edge_index, W1, b1, W2, b2):
    pad = E_PAD - N_EDGES
    src = jnp.concatenate(
        [edge_index[0].astype(jnp.int32), jnp.zeros((pad,), jnp.int32)])
    dst = jnp.concatenate(
        [edge_index[1].astype(jnp.int32),
         N_NODES + (jnp.arange(pad, dtype=jnp.int32) % (N_ACC - N_NODES))])

    def _split(flat):
        ch = flat.reshape(-1, CHUNK)
        c0 = ch[:NS * N0_CHUNKS].reshape(NS, N0_CHUNKS, CHUNK)
        c1 = ch[NS * N0_CHUNKS:].reshape(NS, N1_CHUNKS, CHUNK)
        c0 = jnp.pad(c0, ((0, 0), (0, NMAX_CHUNKS - N0_CHUNKS), (0, 0)))
        c1 = jnp.pad(c1, ((0, 0), (0, NMAX_CHUNKS - N1_CHUNKS), (0, 0)))
        return jnp.concatenate([c0, c1], axis=0)

    src_t = _split(src)
    dst_t = _split(dst)
    dst32 = dst.reshape(NW, N_CHUNKS, CHUNK)
    onesD = jnp.ones((CHUNK, D), jnp.float32)
    zerosD = jnp.zeros((N_ACC, D), jnp.float32)
    b1r = b1.reshape(1, D)
    b2r = b2.reshape(1, D)

    deg_parts = _sc_degree(dst32, onesD, zerosD)
    xw1 = _tc_matmul(x, W1)
    dinv, y1 = _tc_norm(deg_parts[:, :N_NODES], xw1)
    acc1 = _sc_edge_pass(y1, src_t, dst_t, zerosD)
    y2 = _tc_mid(acc1[:, :N_NODES], y1, dinv, W2, b1r)
    acc2 = _sc_edge_pass(y2, src_t, dst_t, zerosD)
    return _tc_final(acc2[:, :N_NODES], y2, dinv, b2r)


def kernel(x, edge_index, W1, b1, W2, b2):
    return _run(x, edge_index, W1, b1, W2, b2)

# --- scband reference (transcript-rebuilt; emitter-appended) ---
"""Pipeline reference for scband-graph-encoder-89842125897988 (READ-ONLY COPY).

The authoritative reference and input builder live on the scoring server;
editing this copy changes nothing except your own understanding.
"""

import jax, jax.numpy as jnp
import numpy as np

N_NODES = 10000
N_EDGES = 320000
D_IN = 128
D_HID = 128
D_LAT = 128


def gcn_conv(x, src, dst, W, b, num_nodes):
    # add self loops
    loop = jnp.arange(num_nodes, dtype=src.dtype)
    s = jnp.concatenate([src, loop])
    d = jnp.concatenate([dst, loop])
    # symmetric normalization: deg computed on destination with unit edge weights
    deg = jnp.zeros((num_nodes,), dtype=x.dtype).at[d].add(1.0)
    deg_inv_sqrt = jnp.where(deg > 0, deg ** -0.5, 0.0)
    norm = deg_inv_sqrt[s] * deg_inv_sqrt[d]
    xw = x @ W
    msgs = xw[s] * norm[:, None]
    out = jnp.zeros((num_nodes, W.shape[1]), dtype=x.dtype).at[d].add(msgs)
    return out + b


def setup_inputs(seed: int = 0) -> dict:
    key = jax.random.key(seed)
    k1, k2, k3, k4, k5, k6 = jax.random.split(key, 6)
    x = jax.random.normal(k1, (N_NODES, D_IN), dtype=jnp.float32)
    edge_index = jax.random.randint(k2, (2, N_EDGES), 0, N_NODES, dtype=jnp.int64)
    # Glorot-style init for GCN weights
    s1 = (6.0 / (D_IN + D_HID)) ** 0.5
    W1 = jax.random.uniform(k3, (D_IN, D_HID), dtype=jnp.float32, minval=-s1, maxval=s1)
    b1 = jnp.zeros((D_HID,), dtype=jnp.float32)
    s2 = (6.0 / (D_HID + D_LAT)) ** 0.5
    W2 = jax.random.uniform(k4, (D_HID, D_LAT), dtype=jnp.float32, minval=-s2, maxval=s2)
    b2 = jnp.zeros((D_LAT,), dtype=jnp.float32)
    return {"x": x, "edge_index": edge_index, "W1": W1, "b1": b1, "W2": W2, "b2": b2}


def reference(x, edge_index, W1, b1, W2, b2):
    src = edge_index[0]
    dst = edge_index[1]
    h = gcn_conv(x, src, dst, W1, b1, N_NODES)
    h = jax.nn.relu(h)
    # dropout is identity in eval mode
    node_embeddings = gcn_conv(h, src, dst, W2, b2, N_NODES)
    return node_embeddings

if __name__ == "__main__":
    import jax
    _d = setup_inputs()
    print(jax.jit(kernel)(*tuple(_d.values())))

</pallas_src>

<mosaic_0001>
#map = affine_map<(d0, d1) -> (0, 0, 0)>
#map1 = affine_map<(d0, d1) -> (0, 0)>
module attributes {stable_mosaic.version = 14 : i64} {
  func.func @_sc_degree(%arg0: i32, %arg1: i32, %arg2: memref<32x80x128xi32, #tpu.memory_space<hbm>>, %arg3: memref<128x128xf32, #tpu.memory_space<hbm>>, %arg4: memref<10112x128xf32, #tpu.memory_space<hbm>>, %arg5: memref<2x10112x128xf32, #tpu.memory_space<hbm>>, %arg6: memref<10112x128xf32, #tpu.memory_space<vmem_shared>>, %arg7: memref<80x128xi32, #tpu.memory_space<vmem>>, %arg8: memref<128x128xf32, #tpu.memory_space<vmem>>, %arg9: memref<!tpu.dma_semaphore, #tpu.memory_space<semaphore_mem>>) attributes {dimension_semantics = [#tpu.dimension_semantics<core_parallel>, #tpu.dimension_semantics<subcore_parallel>], iteration_bounds = array<i64: 2, 16>, scalar_prefetch = 0 : i64, scratch_operands = 4 : i64, tpu.core_type = #tpu.core_type<sc_vector_subcore>, window_params = [{transform_indices = #map}, {transform_indices = #map1}, {transform_indices = #map1}, {transform_indices = #map}]} {
    %mul3A = arith.constant 16 : i32
    %mul3A_0 = arith.muli %arg0, %mul3A : i32
    %add3A = arith.addi %mul3A_0, %arg1 : i32
    %mul3A_1 = arith.constant 632 : i32
    %mul3A_2 = arith.muli %arg1, %mul3A_1 : i32
    "tpu.region"() ({
      %run_scoped3A = tpu.sem_alloc : memref<!tpu.dma_semaphore, #tpu.memory_space<semaphore_mem>>
      %dma_start3A = arith.constant 0 : i32
      %dma_start3A_8 = tpu.memref_slice %arg6[%mul3A_2, %dma_start3A] : memref<10112x128xf32, #tpu.memory_space<vmem_shared>> -> memref<632x128xf32, #tpu.memory_space<vmem_shared>>
      %dma_start3A_9 = arith.constant 0 : i32
      %dma_start3A_10 = tpu.memref_slice %arg4[%mul3A_2, %dma_start3A_9] : memref<10112x128xf32, #tpu.memory_space<hbm>> -> memref<632x128xf32, #tpu.memory_space<hbm>>
      tpu.enqueue_dma source(%dma_start3A_10 : memref<632x128xf32, #tpu.memory_space<hbm>>) target(%dma_start3A_8 : memref<632x128xf32, #tpu.memory_space<vmem_shared>>) target_semaphore(%run_scoped3A : memref<!tpu.dma_semaphore, #tpu.memory_space<semaphore_mem>>)
      %dma_wait3A = arith.constant 0 : i32
      %dma_wait3A_11 = tpu.memref_slice %arg6[%mul3A_2, %dma_wait3A] : memref<10112x128xf32, #tpu.memory_space<vmem_shared>> -> memref<632x128xf32, #tpu.memory_space<vmem_shared>>
      %dma_wait3A_12 = arith.constant 0 : i32
      %dma_wait3A_13 = tpu.memref_slice %arg4[%mul3A_2, %dma_wait3A_12] : memref<10112x128xf32, #tpu.memory_space<hbm>> -> memref<632x128xf32, #tpu.memory_space<hbm>>
      tpu.wait_dma2 semaphore(%run_scoped3A : memref<!tpu.dma_semaphore, #tpu.memory_space<semaphore_mem>>) src(%dma_wait3A_13 : memref<632x128xf32, #tpu.memory_space<hbm>>) dst(%dma_wait3A_11 : memref<632x128xf32, #tpu.memory_space<vmem_shared>>)
      tpu.yield
    }) : () -> ()
    "tpu.region"() ({
      %run_scoped3A = tpu.sem_alloc : memref<!tpu.dma_semaphore, #tpu.memory_space<semaphore_mem>>
      tpu.enqueue_dma source(%arg3 : memref<128x128xf32, #tpu.memory_space<hbm>>) target(%arg8 : memref<128x128xf32, #tpu.memory_space<vmem>>) target_semaphore(%run_scoped3A : memref<!tpu.dma_semaphore, #tpu.memory_space<semaphore_mem>>)
      tpu.wait_dma2 semaphore(%run_scoped3A : memref<!tpu.dma_semaphore, #tpu.memory_space<semaphore_mem>>) src(%arg3 : memref<128x128xf32, #tpu.memory_space<hbm>>) dst(%arg8 : memref<128x128xf32, #tpu.memory_space<vmem>>)
      tpu.yield
    }) : () -> ()
    "tpu.region"() ({
      %run_scoped3A = tpu.sem_alloc : memref<!tpu.dma_semaphore, #tpu.memory_space<semaphore_mem>>
      %dma_start3A = arith.constant 0 : i32
      %dma_start3A_8 = arith.constant 0 : i32
      %dma_start3A_9 = tpu.memref_slice %arg2[%add3A, %dma_start3A, %dma_start3A_8] : memref<32x80x128xi32, #tpu.memory_space<hbm>> -> memref<1x80x128xi32, #tpu.memory_space<hbm>>
      %dma_start3A_10 = tpu.memref_squeeze %dma_start3A_9 : memref<1x80x128xi32, #tpu.memory_space<hbm>> -> memref<80x128xi32, #tpu.memory_space<hbm>>
      %dma_start3A_11 = arith.constant 0 : i32
      %dma_start3A_12 = arith.constant 0 : i32
      %dma_start3A_13 = tpu.memref_slice %arg2[%add3A, %dma_start3A_11, %dma_start3A_12] : memref<32x80x128xi32, #tpu.memory_space<hbm>> -> memref<1x80x128xi32, #tpu.memory_space<hbm>>
      %dma_start3A_14 = tpu.memref_squeeze %dma_start3A_13 : memref<1x80x128xi32, #tpu.memory_space<hbm>> -> memref<80x128xi32, #tpu.memory_space<hbm>>
      tpu.enqueue_dma source(%dma_start3A_14 : memref<80x128xi32, #tpu.memory_space<hbm>>) target(%arg7 : memref<80x128xi32, #tpu.memory_space<vmem>>) target_semaphore(%run_scoped3A : memref<!tpu.dma_semaphore, #tpu.memory_space<semaphore_mem>>)
      %dma_wait3A = arith.constant 0 : i32
      %dma_wait3A_15 = arith.constant 0 : i32
      %dma_wait3A_16 = tpu.memref_slice %arg2[%add3A, %dma_wait3A, %dma_wait3A_15] : memref<32x80x128xi32, #tpu.memory_space<hbm>> -> memref<1x80x128xi32, #tpu.memory_space<hbm>>
      %dma_wait3A_17 = tpu.memref_squeeze %dma_wait3A_16 : memref<1x80x128xi32, #tpu.memory_space<hbm>> -> memref<80x128xi32, #tpu.memory_space<hbm>>
      %dma_wait3A_18 = arith.constant 0 : i32
      %dma_wait3A_19 = arith.constant 0 : i32
      %dma_wait3A_20 = tpu.memref_slice %arg2[%add3A, %dma_wait3A_18, %dma_wait3A_19] : memref<32x80x128xi32, #tpu.memory_space<hbm>> -> memref<1x80x128xi32, #tpu.memory_space<hbm>>
      %dma_wait3A_21 = tpu.memref_squeeze %dma_wait3A_20 : memref<1x80x128xi32, #tpu.memory_space<hbm>> -> memref<80x128xi32, #tpu.memory_space<hbm>>
      tpu.wait_dma2 semaphore(%run_scoped3A : memref<!tpu.dma_semaphore, #tpu.memory_space<semaphore_mem>>) src(%dma_wait3A_21 : memref<80x128xi32, #tpu.memory_space<hbm>>) dst(%arg7 : memref<80x128xi32, #tpu.memory_space<vmem>>)
      tpu.yield
    }) : () -> ()
    %barrier3A = arith.constant 0 : index
    tpu.barrier barrier_id(%barrier3A)
    %scan3A = arith.constant 0 : i32
    %scan3A_3 = arith.constant 80 : i32
    %scan3A_4 = arith.addi %scan3A, %scan3A_3 : i32
    %scan3A_5 = arith.constant 1 : i32
    scf.for %scan3A_8 = %scan3A to %scan3A_4 step %scan3A_5  : i32 {
      %mul3A_9 = arith.constant 1 : i32
      %mul3A_10 = arith.muli %scan3A_8, %mul3A_9 : i32
      %add3A_11 = arith.constant 0 : i32
      %add3A_12 = arith.addi %add3A_11, %mul3A_10 : i32
      "tpu.region"() ({
        %run_scoped3A = tpu.sem_alloc : memref<!tpu.dma_semaphore, #tpu.memory_space<semaphore_mem>>
        %dma_start3A = arith.constant 0 : i32
        %dma_start3A_13 = tpu.memref_slice %arg7[%add3A_12, %dma_start3A] : memref<80x128xi32, #tpu.memory_space<vmem>> -> memref<1x128xi32, #tpu.memory_space<vmem>>
        %dma_start3A_14 = tpu.memref_squeeze %dma_start3A_13 : memref<1x128xi32, #tpu.memory_space<vmem>> -> memref<128xi32, #tpu.memory_space<vmem>>
        %dma_start3A_15 = arith.constant 0 : i32
        %dma_start3A_16 = arith.constant 0 : i32
        %dma_start3A_17 = tpu.memref_slice %arg6[%dma_start3A_15, %dma_start3A_16] : memref<10112x128xf32, #tpu.memory_space<vmem_shared>> -> memref<10112x128xf32, #tpu.memory_space<vmem_shared>>
        tpu.enqueue_indirect_dma source(%arg8 : memref<128x128xf32, #tpu.memory_space<vmem>>) target(%dma_start3A_17 : memref<10112x128xf32, #tpu.memory_space<vmem_shared>>) offsets(%dma_start3A_14 : memref<128xi32, #tpu.memory_space<vmem>>) semaphore(%run_scoped3A : memref<!tpu.dma_semaphore, #tpu.memory_space<semaphore_mem>>) {add = true}
        %dma_wait3A = arith.constant 0 : i32
        %dma_wait3A_18 = tpu.memref_slice %arg7[%add3A_12, %dma_wait3A] : memref<80x128xi32, #tpu.memory_space<vmem>> -> memref<1x128xi32, #tpu.memory_space<vmem>>
        %dma_wait3A_19 = tpu.memref_squeeze %dma_wait3A_18 : memref<1x128xi32, #tpu.memory_space<vmem>> -> memref<128xi32, #tpu.memory_space<vmem>>
        %dma_wait3A_20 = arith.constant 0 : i32
        %dma_wait3A_21 = arith.constant 0 : i32
        %dma_wait3A_22 = tpu.memref_slice %arg6[%dma_wait3A_20, %dma_wait3A_21] : memref<10112x128xf32, #tpu.memory_space<vmem_shared>> -> memref<10112x128xf32, #tpu.memory_space<vmem_shared>>
        tpu.wait_indirect_dma semaphore(%run_scoped3A : memref<!tpu.dma_semaphore, #tpu.memory_space<semaphore_mem>>) src(%arg8 : memref<128x128xf32, #tpu.memory_space<vmem>>) dst(%dma_wait3A_22 : memref<10112x128xf32, #tpu.memory_space<vmem_shared>>)
        tpu.yield
      }) : () -> ()
    }
    %scan3A_6 = arith.constant 80 : i32
    %barrier3A_7 = arith.constant 0 : index
    tpu.barrier barrier_id(%barrier3A_7)
    "tpu.region"() ({
      %run_scoped3A = tpu.sem_alloc : memref<!tpu.dma_semaphore, #tpu.memory_space<semaphore_mem>>
      %dma_start3A = arith.constant 0 : i32
      %dma_start3A_8 = tpu.memref_slice %arg5[%arg0, %mul3A_2, %dma_start3A] : memref<2x10112x128xf32, #tpu.memory_space<hbm>> -> memref<1x632x128xf32, #tpu.memory_space<hbm>>
      %dma_start3A_9 = tpu.memref_squeeze %dma_start3A_8 : memref<1x632x128xf32, #tpu.memory_space<hbm>> -> memref<632x128xf32, #tpu.memory_space<hbm>>
      %dma_start3A_10 = arith.constant 0 : i32
      %dma_start3A_11 = tpu.memref_slice %arg6[%mul3A_2, %dma_start3A_10] : memref<10112x128xf32, #tpu.memory_space<vmem_shared>> -> memref<632x128xf32, #tpu.memory_space<vmem_shared>>
      tpu.enqueue_dma source(%dma_start3A_11 : memref<632x128xf32, #tpu.memory_space<vmem_shared>>) target(%dma_start3A_9 : memref<632x128xf32, #tpu.memory_space<hbm>>) target_semaphore(%run_scoped3A : memref<!tpu.dma_semaphore, #tpu.memory_space<semaphore_mem>>)
      %dma_wait3A = arith.constant 0 : i32
      %dma_wait3A_12 = tpu.memref_slice %arg5[%arg0, %mul3A_2, %dma_wait3A] : memref<2x10112x128xf32, #tpu.memory_space<hbm>> -> memref<1x632x128xf32, #tpu.memory_space<hbm>>
      %dma_wait3A_13 = tpu.memref_squeeze %dma_wait3A_12 : memref<1x632x128xf32, #tpu.memory_space<hbm>> -> memref<632x128xf32, #tpu.memory_space<hbm>>
      %dma_wait3A_14 = arith.constant 0 : i32
      %dma_wait3A_15 = tpu.memref_slice %arg6[%mul3A_2, %dma_wait3A_14] : memref<10112x128xf32, #tpu.memory_space<vmem_shared>> -> memref<632x128xf32, #tpu.memory_space<vmem_shared>>
      tpu.wait_dma2 semaphore(%run_scoped3A : memref<!tpu.dma_semaphore, #tpu.memory_space<semaphore_mem>>) src(%dma_wait3A_15 : memref<632x128xf32, #tpu.memory_space<vmem_shared>>) dst(%dma_wait3A_13 : memref<632x128xf32, #tpu.memory_space<hbm>>)
      tpu.yield
    }) : () -> ()
    return
  }
}

#map = affine_map<(d0, d1) -> (0, 0)>
#map1 = affine_map<(d0, d1) -> (0, 0, 0)>
module attributes {stable_mosaic.version = 14 : i64} {
  func.func @_sc_edge_pass(%arg0: i32, %arg1: i32, %arg2: memref<10000x128xf32, #tpu.memory_space<hbm>>, %arg3: memref<32x124x128xi32, #tpu.memory_space<hbm>>, %arg4: memref<32x124x128xi32, #tpu.memory_space<hbm>>, %arg5: memref<10112x128xf32, #tpu.memory_space<hbm>>, %arg6: memref<2x10112x128xf32, #tpu.memory_space<hbm>>, %arg7: memref<10112x128xf32, #tpu.memory_space<vmem_shared>>, %arg8: memref<2x128xi32, #tpu.memory_space<vmem>>, %arg9: memref<124x128xi32, #tpu.memory_space<vmem>>, %arg10: memref<2x128x128xf32, #tpu.memory_space<vmem>>, %arg11: memref<!tpu.dma_semaphore, #tpu.memory_space<semaphore_mem>>, %arg12: memref<!tpu.dma_semaphore, #tpu.memory_space<semaphore_mem>>, %arg13: memref<!tpu.dma_semaphore, #tpu.memory_space<semaphore_mem>>, %arg14: memref<!tpu.dma_semaphore, #tpu.memory_space<semaphore_mem>>) attributes {dimension_semantics = [#tpu.dimension_semantics<core_parallel>, #tpu.dimension_semantics<subcore_parallel>], iteration_bounds = array<i64: 2, 16>, scalar_prefetch = 0 : i64, scratch_operands = 8 : i64, tpu.core_type = #tpu.core_type<sc_vector_subcore>, window_params = [{transform_indices = #map}, {transform_indices = #map1}, {transform_indices = #map1}, {transform_indices = #map}, {transform_indices = #map1}]} {
    %mul3A = arith.constant 16 : i32
    %mul3A_0 = arith.muli %arg0, %mul3A : i32
    %add3A = arith.addi %mul3A_0, %arg1 : i32
    %mul3A_1 = arith.constant 632 : i32
    %mul3A_2 = arith.muli %arg1, %mul3A_1 : i32
    "tpu.region"() ({
      %run_scoped3A = tpu.sem_alloc : memref<!tpu.dma_semaphore, #tpu.memory_space<semaphore_mem>>
      %dma_start3A = arith.constant 0 : i32
      %dma_start3A_23 = tpu.memref_slice %arg7[%mul3A_2, %dma_start3A] : memref<10112x128xf32, #tpu.memory_space<vmem_shared>> -> memref<632x128xf32, #tpu.memory_space<vmem_shared>>
      %dma_start3A_24 = arith.constant 0 : i32
      %dma_start3A_25 = tpu.memref_slice %arg5[%mul3A_2, %dma_start3A_24] : memref<10112x128xf32, #tpu.memory_space<hbm>> -> memref<632x128xf32, #tpu.memory_space<hbm>>
      tpu.enqueue_dma source(%dma_start3A_25 : memref<632x128xf32, #tpu.memory_space<hbm>>) target(%dma_start3A_23 : memref<632x128xf32, #tpu.memory_space<vmem_shared>>) target_semaphore(%run_scoped3A : memref<!tpu.dma_semaphore, #tpu.memory_space<semaphore_mem>>)
      %dma_wait3A = arith.constant 0 : i32
      %dma_wait3A_26 = tpu.memref_slice %arg7[%mul3A_2, %dma_wait3A] : memref<10112x128xf32, #tpu.memory_space<vmem_shared>> -> memref<632x128xf32, #tpu.memory_space<vmem_shared>>
      %dma_wait3A_27 = arith.constant 0 : i32
      %dma_wait3A_28 = tpu.memref_slice %arg5[%mul3A_2, %dma_wait3A_27] : memref<10112x128xf32, #tpu.memory_space<hbm>> -> memref<632x128xf32, #tpu.memory_space<hbm>>
      tpu.wait_dma2 semaphore(%run_scoped3A : memref<!tpu.dma_semaphore, #tpu.memory_space<semaphore_mem>>) src(%dma_wait3A_28 : memref<632x128xf32, #tpu.memory_space<hbm>>) dst(%dma_wait3A_26 : memref<632x128xf32, #tpu.memory_space<vmem_shared>>)
      tpu.yield
    }) : () -> ()
    "tpu.region"() ({
      %run_scoped3A = tpu.sem_alloc : memref<!tpu.dma_semaphore, #tpu.memory_space<semaphore_mem>>
      %dma_start3A = arith.constant 0 : i32
      %dma_start3A_23 = arith.constant 0 : i32
      %dma_start3A_24 = tpu.memref_slice %arg4[%add3A, %dma_start3A, %dma_start3A_23] : memref<32x124x128xi32, #tpu.memory_space<hbm>> -> memref<1x124x128xi32, #tpu.memory_space<hbm>>
      %dma_start3A_25 = tpu.memref_squeeze %dma_start3A_24 : memref<1x124x128xi32, #tpu.memory_space<hbm>> -> memref<124x128xi32, #tpu.memory_space<hbm>>
      %dma_start3A_26 = arith.constant 0 : i32
      %dma_start3A_27 = arith.constant 0 : i32
      %dma_start3A_28 = tpu.memref_slice %arg4[%add3A, %dma_start3A_26, %dma_start3A_27] : memref<32x124x128xi32, #tpu.memory_space<hbm>> -> memref<1x124x128xi32, #tpu.memory_space<hbm>>
      %dma_start3A_29 = tpu.memref_squeeze %dma_start3A_28 : memref<1x124x128xi32, #tpu.memory_space<hbm>> -> memref<124x128xi32, #tpu.memory_space<hbm>>
      tpu.enqueue_dma source(%dma_start3A_29 : memref<124x128xi32, #tpu.memory_space<hbm>>) target(%arg9 : memref<124x128xi32, #tpu.memory_space<vmem>>) target_semaphore(%run_scoped3A : memref<!tpu.dma_semaphore, #tpu.memory_space<semaphore_mem>>)
      %dma_wait3A = arith.constant 0 : i32
      %dma_wait3A_30 = arith.constant 0 : i32
      %dma_wait3A_31 = tpu.memref_slice %arg4[%add3A, %dma_wait3A, %dma_wait3A_30] : memref<32x124x128xi32, #tpu.memory_space<hbm>> -> memref<1x124x128xi32, #tpu.memory_space<hbm>>
      %dma_wait3A_32 = tpu.memref_squeeze %dma_wait3A_31 : memref<1x124x128xi32, #tpu.memory_space<hbm>> -> memref<124x128xi32, #tpu.memory_space<hbm>>
      %dma_wait3A_33 = arith.constant 0 : i32
      %dma_wait3A_34 = arith.constant 0 : i32
      %dma_wait3A_35 = tpu.memref_slice %arg4[%add3A, %dma_wait3A_33, %dma_wait3A_34] : memref<32x124x128xi32, #tpu.memory_space<hbm>> -> memref<1x124x128xi32, #tpu.memory_space<hbm>>
      %dma_wait3A_36 = tpu.memref_squeeze %dma_wait3A_35 : memref<1x124x128xi32, #tpu.memory_space<hbm>> -> memref<124x128xi32, #tpu.memory_space<hbm>>
      tpu.wait_dma2 semaphore(%run_scoped3A : memref<!tpu.dma_semaphore, #tpu.memory_space<semaphore_mem>>) src(%dma_wait3A_36 : memref<124x128xi32, #tpu.memory_space<hbm>>) dst(%arg9 : memref<124x128xi32, #tpu.memory_space<vmem>>)
      tpu.yield
    }) : () -> ()
    %barrier3A = arith.constant 0 : index
    tpu.barrier barrier_id(%barrier3A)
    %eq3A = arith.constant 0 : i32
    %eq3A_3 = arith.cmpi eq, %arg0, %eq3A : i32
    %select_n3A = arith.constant 18 : i32
    %select_n3A_4 = arith.constant 62 : i32
    %select_n3A_5 = arith.select %eq3A_3, %select_n3A_4, %select_n3A : i32
    %sub3A = arith.constant 0 : i32
    %sub3A_6 = arith.subi %select_n3A_5, %sub3A : i32
    %sub3A_7 = arith.constant 1 : i32
    %sub3A_8 = arith.constant 1 : i32
    %sub3A_9 = arith.subi %sub3A_7, %sub3A_8 : i32
    %add3A_10 = arith.addi %sub3A_6, %sub3A_9 : i32
    %div3A = arith.constant 1 : i32
    %div3A_11 = arith.divsi %add3A_10, %div3A : i32
    %while3A = arith.constant 1 : i32
    %while3A_12 = arith.constant 0 : i32
    %while3A_13 = arith.constant 0 : i32
    %while3A_14 = arith.subi %div3A_11, %while3A_13 : i32
    %while3A_15 = arith.addi %while3A_13, %while3A_14 : i32
    %while3A_16 = arith.constant 1 : i32
    %while3A_17 = arith.divsi %while3A_14, %while3A_16 : i32
    %while3A_18 = arith.muli %while3A_17, %while3A_16 : i32
    %while3A_19 = arith.addi %while3A_13, %while3A_18 : i32
    %while3A_20 = arith.constant 1 : i32
    scf.for %while3A_23 = %while3A_13 to %while3A_19 step %while3A_20  : i32 {
      %mul3A_24 = arith.muli %while3A_23, %while3A : i32
      %add3A_25 = arith.addi %while3A_12, %mul3A_24 : i32
      %mul3A_26 = arith.constant 2 : i32
      %mul3A_27 = arith.muli %add3A_25, %mul3A_26 : i32
      %add3A_28 = arith.constant 0 : i32
      %add3A_29 = arith.addi %mul3A_27, %add3A_28 : i32
      %dma_start3A = arith.constant 0 : i32
      %dma_start3A_30 = arith.constant 0 : i32
      %dma_start3A_31 = tpu.memref_slice %arg8[%dma_start3A, %dma_start3A_30] : memref<2x128xi32, #tpu.memory_space<vmem>> -> memref<1x128xi32, #tpu.memory_space<vmem>>
      %dma_start3A_32 = tpu.memref_squeeze %dma_start3A_31 : memref<1x128xi32, #tpu.memory_space<vmem>> -> memref<128xi32, #tpu.memory_space<vmem>>
      %dma_start3A_33 = arith.constant 0 : i32
      %dma_start3A_34 = tpu.memref_slice %arg3[%add3A, %add3A_29, %dma_start3A_33] : memref<32x124x128xi32, #tpu.memory_space<hbm>> -> memref<1x1x128xi32, #tpu.memory_space<hbm>>
      %dma_start3A_35 = tpu.memref_squeeze %dma_start3A_34 : memref<1x1x128xi32, #tpu.memory_space<hbm>> -> memref<128xi32, #tpu.memory_space<hbm>>
      %dma_start3A_36 = arith.constant 0 : i32
      %dma_start3A_37 = tpu.memref_slice %arg8[%dma_start3A, %dma_start3A_36] : memref<2x128xi32, #tpu.memory_space<vmem>> -> memref<1x128xi32, #tpu.memory_space<vmem>>
      %dma_start3A_38 = tpu.memref_squeeze %dma_start3A_37 : memref<1x128xi32, #tpu.memory_space<vmem>> -> memref<128xi32, #tpu.memory_space<vmem>>
      %dma_start3A_39 = arith.constant 0 : i32
      %dma_start3A_40 = tpu.memref_slice %arg3[%add3A, %add3A_29, %dma_start3A_39] : memref<32x124x128xi32, #tpu.memory_space<hbm>> -> memref<1x1x128xi32, #tpu.memory_space<hbm>>
      %dma_start3A_41 = tpu.memref_squeeze %dma_start3A_40 : memref<1x1x128xi32, #tpu.memory_space<hbm>> -> memref<128xi32, #tpu.memory_space<hbm>>
      tpu.enqueue_dma source(%dma_start3A_41 : memref<128xi32, #tpu.memory_space<hbm>>) target(%dma_start3A_38 : memref<128xi32, #tpu.memory_space<vmem>>) target_semaphore(%arg11 : memref<!tpu.dma_semaphore, #tpu.memory_space<semaphore_mem>>)
      %add3A_42 = arith.constant 1 : i32
      %add3A_43 = arith.addi %mul3A_27, %add3A_42 : i32
      %dma_start3A_44 = arith.constant 1 : i32
      %dma_start3A_45 = arith.constant 0 : i32
      %dma_start3A_46 = tpu.memref_slice %arg8[%dma_start3A_44, %dma_start3A_45] : memref<2x128xi32, #tpu.memory_space<vmem>> -> memref<1x128xi32, #tpu.memory_space<vmem>>
      %dma_start3A_47 = tpu.memref_squeeze %dma_start3A_46 : memref<1x128xi32, #tpu.memory_space<vmem>> -> memref<128xi32, #tpu.memory_space<vmem>>
      %dma_start3A_48 = arith.constant 0 : i32
      %dma_start3A_49 = tpu.memref_slice %arg3[%add3A, %add3A_43, %dma_start3A_48] : memref<32x124x128xi32, #tpu.memory_space<hbm>> -> memref<1x1x128xi32, #tpu.memory_space<hbm>>
      %dma_start3A_50 = tpu.memref_squeeze %dma_start3A_49 : memref<1x1x128xi32, #tpu.memory_space<hbm>> -> memref<128xi32, #tpu.memory_space<hbm>>
      %dma_start3A_51 = arith.constant 0 : i32
      %dma_start3A_52 = tpu.memref_slice %arg8[%dma_start3A_44, %dma_start3A_51] : memref<2x128xi32, #tpu.memory_space<vmem>> -> memref<1x128xi32, #tpu.memory_space<vmem>>
      %dma_start3A_53 = tpu.memref_squeeze %dma_start3A_52 : memref<1x128xi32, #tpu.memory_space<vmem>> -> memref<128xi32, #tpu.memory_space<vmem>>
      %dma_start3A_54 = arith.constant 0 : i32
      %dma_start3A_55 = tpu.memref_slice %arg3[%add3A, %add3A_43, %dma_start3A_54] : memref<32x124x128xi32, #tpu.memory_space<hbm>> -> memref<1x1x128xi32, #tpu.memory_space<hbm>>
      %dma_start3A_56 = tpu.memref_squeeze %dma_start3A_55 : memref<1x1x128xi32, #tpu.memory_space<hbm>> -> memref<128xi32, #tpu.memory_space<hbm>>
      tpu.enqueue_dma source(%dma_start3A_56 : memref<128xi32, #tpu.memory_space<hbm>>) target(%dma_start3A_53 : memref<128xi32, #tpu.memory_space<vmem>>) target_semaphore(%arg12 : memref<!tpu.dma_semaphore, #tpu.memory_space<semaphore_mem>>)
      %dma_wait3A = arith.constant 0 : i32
      %dma_wait3A_57 = arith.constant 0 : i32
      %dma_wait3A_58 = tpu.memref_slice %arg8[%dma_wait3A, %dma_wait3A_57] : memref<2x128xi32, #tpu.memory_space<vmem>> -> memref<1x128xi32, #tpu.memory_space<vmem>>
      %dma_wait3A_59 = tpu.memref_squeeze %dma_wait3A_58 : memref<1x128xi32, #tpu.memory_space<vmem>> -> memref<128xi32, #tpu.memory_space<vmem>>
      %dma_wait3A_60 = arith.constant 0 : i32
      %dma_wait3A_61 = tpu.memref_slice %arg3[%add3A, %add3A_29, %dma_wait3A_60] : memref<32x124x128xi32, #tpu.memory_space<hbm>> -> memref<1x1x128xi32, #tpu.memory_space<hbm>>
      %dma_wait3A_62 = tpu.memref_squeeze %dma_wait3A_61 : memref<1x1x128xi32, #tpu.memory_space<hbm>> -> memref<128xi32, #tpu.memory_space<hbm>>
      %dma_wait3A_63 = arith.constant 0 : i32
      %dma_wait3A_64 = tpu.memref_slice %arg8[%dma_wait3A, %dma_wait3A_63] : memref<2x128xi32, #tpu.memory_space<vmem>> -> memref<1x128xi32, #tpu.memory_space<vmem>>
      %dma_wait3A_65 = tpu.memref_squeeze %dma_wait3A_64 : memref<1x128xi32, #tpu.memory_space<vmem>> -> memref<128xi32, #tpu.memory_space<vmem>>
      %dma_wait3A_66 = arith.constant 0 : i32
      %dma_wait3A_67 = tpu.memref_slice %arg3[%add3A, %add3A_29, %dma_wait3A_66] : memref<32x124x128xi32, #tpu.memory_space<hbm>> -> memref<1x1x128xi32, #tpu.memory_space<hbm>>
      %dma_wait3A_68 = tpu.memref_squeeze %dma_wait3A_67 : memref<1x1x128xi32, #tpu.memory_space<hbm>> -> memref<128xi32, #tpu.memory_space<hbm>>
      tpu.wait_dma2 semaphore(%arg11 : memref<!tpu.dma_semaphore, #tpu.memory_space<semaphore_mem>>) src(%dma_wait3A_68 : memref<128xi32, #tpu.memory_space<hbm>>) dst(%dma_wait3A_65 : memref<128xi32, #tpu.memory_space<vmem>>)
      %dma_start3A_69 = arith.constant 0 : i32
      %dma_start3A_70 = arith.constant 0 : i32
      %dma_start3A_71 = arith.constant 0 : i32
      %dma_start3A_72 = arith.constant 0 : i32
      %dma_start3A_73 = tpu.memref_slice %arg10[%dma_start3A_70, %dma_start3A_71, %dma_start3A_72] : memref<2x128x128xf32, #tpu.memory_space<vmem>> -> memref<1x128x128xf32, #tpu.memory_space<vmem>>
      %dma_start3A_74 = tpu.memref_squeeze %dma_start3A_73 : memref<1x128x128xf32, #tpu.memory_space<vmem>> -> memref<128x128xf32, #tpu.memory_space<vmem>>
      %dma_start3A_75 = arith.constant 0 : i32
      %dma_start3A_76 = tpu.memref_slice %arg8[%dma_start3A_69, %dma_start3A_75] : memref<2x128xi32, #tpu.memory_space<vmem>> -> memref<1x128xi32, #tpu.memory_space<vmem>>
      %dma_start3A_77 = tpu.memref_squeeze %dma_start3A_76 : memref<1x128xi32, #tpu.memory_space<vmem>> -> memref<128xi32, #tpu.memory_space<vmem>>
      %dma_start3A_78 = arith.constant 0 : i32
      %dma_start3A_79 = arith.constant 0 : i32
      %dma_start3A_80 = tpu.memref_slice %arg2[%dma_start3A_78, %dma_start3A_79] : memref<10000x128xf32, #tpu.memory_space<hbm>> -> memref<10000x128xf32, #tpu.memory_space<hbm>>
      tpu.enqueue_indirect_dma source(%dma_start3A_80 : memref<10000x128xf32, #tpu.memory_space<hbm>>) target(%dma_start3A_74 : memref<128x128xf32, #tpu.memory_space<vmem>>) offsets(%dma_start3A_77 : memref<128xi32, #tpu.memory_space<vmem>>) semaphore(%arg13 : memref<!tpu.dma_semaphore, #tpu.memory_space<semaphore_mem>>)
      %dma_wait3A_81 = arith.constant 1 : i32
      %dma_wait3A_82 = arith.constant 0 : i32
      %dma_wait3A_83 = tpu.memref_slice %arg8[%dma_wait3A_81, %dma_wait3A_82] : memref<2x128xi32, #tpu.memory_space<vmem>> -> memref<1x128xi32, #tpu.memory_space<vmem>>
      %dma_wait3A_84 = tpu.memref_squeeze %dma_wait3A_83 : memref<1x128xi32, #tpu.memory_space<vmem>> -> memref<128xi32, #tpu.memory_space<vmem>>
      %dma_wait3A_85 = arith.constant 0 : i32
      %dma_wait3A_86 = tpu.memref_slice %arg3[%add3A, %add3A_43, %dma_wait3A_85] : memref<32x124x128xi32, #tpu.memory_space<hbm>> -> memref<1x1x128xi32, #tpu.memory_space<hbm>>
      %dma_wait3A_87 = tpu.memref_squeeze %dma_wait3A_86 : memref<1x1x128xi32, #tpu.memory_space<hbm>> -> memref<128xi32, #tpu.memory_space<hbm>>
      %dma_wait3A_88 = arith.constant 0 : i32
      %dma_wait3A_89 = tpu.memref_slice %arg8[%dma_wait3A_81, %dma_wait3A_88] : memref<2x128xi32, #tpu.memory_space<vmem>> -> memref<1x128xi32, #tpu.memory_space<vmem>>
      %dma_wait3A_90 = tpu.memref_squeeze %dma_wait3A_89 : memref<1x128xi32, #tpu.memory_space<vmem>> -> memref<128xi32, #tpu.memory_space<vmem>>
      %dma_wait3A_91 = arith.constant 0 : i32
      %dma_wait3A_92 = tpu.memref_slice %arg3[%add3A, %add3A_43, %dma_wait3A_91] : memref<32x124x128xi32, #tpu.memory_space<hbm>> -> memref<1x1x128xi32, #tpu.memory_space<hbm>>
      %dma_wait3A_93 = tpu.memref_squeeze %dma_wait3A_92 : memref<1x1x128xi32, #tpu.memory_space<hbm>> -> memref<128xi32, #tpu.memory_space<hbm>>
      tpu.wait_dma2 semaphore(%arg12 : memref<!tpu.dma_semaphore, #tpu.memory_space<semaphore_mem>>) src(%dma_wait3A_93 : memref<128xi32, #tpu.memory_space<hbm>>) dst(%dma_wait3A_90 : memref<128xi32, #tpu.memory_space<vmem>>)
      %dma_start3A_94 = arith.constant 1 : i32
      %dma_start3A_95 = arith.constant 1 : i32
      %dma_start3A_96 = arith.constant 0 : i32
      %dma_start3A_97 = arith.constant 0 : i32
      %dma_start3A_98 = tpu.memref_slice %arg10[%dma_start3A_95, %dma_start3A_96, %dma_start3A_97] : memref<2x128x128xf32, #tpu.memory_space<vmem>> -> memref<1x128x128xf32, #tpu.memory_space<vmem>>
      %dma_start3A_99 = tpu.memref_squeeze %dma_start3A_98 : memref<1x128x128xf32, #tpu.memory_space<vmem>> -> memref<128x128xf32, #tpu.memory_space<vmem>>
      %dma_start3A_100 = arith.constant 0 : i32
      %dma_start3A_101 = tpu.memref_slice %arg8[%dma_start3A_94, %dma_start3A_100] : memref<2x128xi32, #tpu.memory_space<vmem>> -> memref<1x128xi32, #tpu.memory_space<vmem>>
      %dma_start3A_102 = tpu.memref_squeeze %dma_start3A_101 : memref<1x128xi32, #tpu.memory_space<vmem>> -> memref<128xi32, #tpu.memory_space<vmem>>
      %dma_start3A_103 = arith.constant 0 : i32
      %dma_start3A_104 = arith.constant 0 : i32
      %dma_start3A_105 = tpu.memref_slice %arg2[%dma_start3A_103, %dma_start3A_104] : memref<10000x128xf32, #tpu.memory_space<hbm>> -> memref<10000x128xf32, #tpu.memory_space<hbm>>
      tpu.enqueue_indirect_dma source(%dma_start3A_105 : memref<10000x128xf32, #tpu.memory_space<hbm>>) target(%dma_start3A_99 : memref<128x128xf32, #tpu.memory_space<vmem>>) offsets(%dma_start3A_102 : memref<128xi32, #tpu.memory_space<vmem>>) semaphore(%arg14 : memref<!tpu.dma_semaphore, #tpu.memory_space<semaphore_mem>>)
      %dma_wait3A_106 = arith.constant 0 : i32
      %dma_wait3A_107 = arith.constant 0 : i32
      %dma_wait3A_108 = arith.constant 0 : i32
      %dma_wait3A_109 = arith.constant 0 : i32
      %dma_wait3A_110 = tpu.memref_slice %arg10[%dma_wait3A_107, %dma_wait3A_108, %dma_wait3A_109] : memref<2x128x128xf32, #tpu.memory_space<vmem>> -> memref<1x128x128xf32, #tpu.memory_space<vmem>>
      %dma_wait3A_111 = tpu.memref_squeeze %dma_wait3A_110 : memref<1x128x128xf32, #tpu.memory_space<vmem>> -> memref<128x128xf32, #tpu.memory_space<vmem>>
      %dma_wait3A_112 = arith.constant 0 : i32
      %dma_wait3A_113 = tpu.memref_slice %arg8[%dma_wait3A_106, %dma_wait3A_112] : memref<2x128xi32, #tpu.memory_space<vmem>> -> memref<1x128xi32, #tpu.memory_space<vmem>>
      %dma_wait3A_114 = tpu.memref_squeeze %dma_wait3A_113 : memref<1x128xi32, #tpu.memory_space<vmem>> -> memref<128xi32, #tpu.memory_space<vmem>>
      %dma_wait3A_115 = arith.constant 0 : i32
      %dma_wait3A_116 = arith.constant 0 : i32
      %dma_wait3A_117 = tpu.memref_slice %arg2[%dma_wait3A_115, %dma_wait3A_116] : memref<10000x128xf32, #tpu.memory_space<hbm>> -> memref<10000x128xf32, #tpu.memory_space<hbm>>
      tpu.wait_indirect_dma semaphore(%arg13 : memref<!tpu.dma_semaphore, #tpu.memory_space<semaphore_mem>>) src(%dma_wait3A_117 : memref<10000x128xf32, #tpu.memory_space<hbm>>) dst(%dma_wait3A_111 : memref<128x128xf32, #tpu.memory_space<vmem>>)
      %add3A_118 = arith.constant 0 : i32
      %add3A_119 = arith.addi %mul3A_27, %add3A_118 : i32
      %run_scoped3A = arith.constant 0 : i32
      "tpu.region"() ({
        %run_scoped3A_135 = tpu.sem_alloc : memref<!tpu.dma_semaphore, #tpu.memory_space<semaphore_mem>>
        %dma_start3A_136 = arith.constant 0 : i32
        %dma_start3A_137 = arith.constant 0 : i32
        %dma_start3A_138 = tpu.memref_slice %arg10[%run_scoped3A, %dma_start3A_136, %dma_start3A_137] : memref<2x128x128xf32, #tpu.memory_space<vmem>> -> memref<1x128x128xf32, #tpu.memory_space<vmem>>
        %dma_start3A_139 = tpu.memref_squeeze %dma_start3A_138 : memref<1x128x128xf32, #tpu.memory_space<vmem>> -> memref<128x128xf32, #tpu.memory_space<vmem>>
        %dma_start3A_140 = arith.constant 0 : i32
        %dma_start3A_141 = tpu.memref_slice %arg9[%add3A_119, %dma_start3A_140] : memref<124x128xi32, #tpu.memory_space<vmem>> -> memref<1x128xi32, #tpu.memory_space<vmem>>
        %dma_start3A_142 = tpu.memref_squeeze %dma_start3A_141 : memref<1x128xi32, #tpu.memory_space<vmem>> -> memref<128xi32, #tpu.memory_space<vmem>>
        %dma_start3A_143 = arith.constant 0 : i32
        %dma_start3A_144 = arith.constant 0 : i32
        %dma_start3A_145 = tpu.memref_slice %arg7[%dma_start3A_143, %dma_start3A_144] : memref<10112x128xf32, #tpu.memory_space<vmem_shared>> -> memref<10112x128xf32, #tpu.memory_space<vmem_shared>>
        tpu.enqueue_indirect_dma source(%dma_start3A_139 : memref<128x128xf32, #tpu.memory_space<vmem>>) target(%dma_start3A_145 : memref<10112x128xf32, #tpu.memory_space<vmem_shared>>) offsets(%dma_start3A_142 : memref<128xi32, #tpu.memory_space<vmem>>) semaphore(%run_scoped3A_135 : memref<!tpu.dma_semaphore, #tpu.memory_space<semaphore_mem>>) {add = true}
        %dma_wait3A_146 = arith.constant 0 : i32
        %dma_wait3A_147 = arith.constant 0 : i32
        %dma_wait3A_148 = tpu.memref_slice %arg10[%run_scoped3A, %dma_wait3A_146, %dma_wait3A_147] : memref<2x128x128xf32, #tpu.memory_space<vmem>> -> memref<1x128x128xf32, #tpu.memory_space<vmem>>
        %dma_wait3A_149 = tpu.memref_squeeze %dma_wait3A_148 : memref<1x128x128xf32, #tpu.memory_space<vmem>> -> memref<128x128xf32, #tpu.memory_space<vmem>>
        %dma_wait3A_150 = arith.constant 0 : i32
        %dma_wait3A_151 = tpu.memref_slice %arg9[%add3A_119, %dma_wait3A_150] : memref<124x128xi32, #tpu.memory_space<vmem>> -> memref<1x128xi32, #tpu.memory_space<vmem>>
        %dma_wait3A_152 = tpu.memref_squeeze %dma_wait3A_151 : memref<1x128xi32, #tpu.memory_space<vmem>> -> memref<128xi32, #tpu.memory_space<vmem>>
        %dma_wait3A_153 = arith.constant 0 : i32
        %dma_wait3A_154 = arith.constant 0 : i32
        %dma_wait3A_155 = tpu.memref_slice %arg7[%dma_wait3A_153, %dma_wait3A_154] : memref<10112x128xf32, #tpu.memory_space<vmem_shared>> -> memref<10112x128xf32, #tpu.memory_space<vmem_shared>>
        tpu.wait_indirect_dma semaphore(%run_scoped3A_135 : memref<!tpu.dma_semaphore, #tpu.memory_space<semaphore_mem>>) src(%dma_wait3A_149 : memref<128x128xf32, #tpu.memory_space<vmem>>) dst(%dma_wait3A_155 : memref<10112x128xf32, #tpu.memory_space<vmem_shared>>)
        tpu.yield
      }) : () -> ()
      %dma_wait3A_120 = arith.constant 1 : i32
      %dma_wait3A_121 = arith.constant 1 : i32
      %dma_wait3A_122 = arith.constant 0 : i32
      %dma_wait3A_123 = arith.constant 0 : i32
      %dma_wait3A_124 = tpu.memref_slice %arg10[%dma_wait3A_121, %dma_wait3A_122, %dma_wait3A_123] : memref<2x128x128xf32, #tpu.memory_space<vmem>> -> memref<1x128x128xf32, #tpu.memory_space<vmem>>
      %dma_wait3A_125 = tpu.memref_squeeze %dma_wait3A_124 : memref<1x128x128xf32, #tpu.memory_space<vmem>> -> memref<128x128xf32, #tpu.memory_space<vmem>>
      %dma_wait3A_126 = arith.constant 0 : i32
      %dma_wait3A_127 = tpu.memref_slice %arg8[%dma_wait3A_120, %dma_wait3A_126] : memref<2x128xi32, #tpu.memory_space<vmem>> -> memref<1x128xi32, #tpu.memory_space<vmem>>
      %dma_wait3A_128 = tpu.memref_squeeze %dma_wait3A_127 : memref<1x128xi32, #tpu.memory_space<vmem>> -> memref<128xi32, #tpu.memory_space<vmem>>
      %dma_wait3A_129 = arith.constant 0 : i32
      %dma_wait3A_130 = arith.constant 0 : i32
      %dma_wait3A_131 = tpu.memref_slice %arg2[%dma_wait3A_129, %dma_wait3A_130] : memref<10000x128xf32, #tpu.memory_space<hbm>> -> memref<10000x128xf32, #tpu.memory_space<hbm>>
      tpu.wait_indirect_dma semaphore(%arg14 : memref<!tpu.dma_semaphore, #tpu.memory_space<semaphore_mem>>) src(%dma_wait3A_131 : memref<10000x128xf32, #tpu.memory_space<hbm>>) dst(%dma_wait3A_125 : memref<128x128xf32, #tpu.memory_space<vmem>>)
      %add3A_132 = arith.constant 1 : i32
      %add3A_133 = arith.addi %mul3A_27, %add3A_132 : i32
      %run_scoped3A_134 = arith.constant 1 : i32
      "tpu.region"() ({
        %run_scoped3A_135 = tpu.sem_alloc : memref<!tpu.dma_semaphore, #tpu.memory_space<semaphore_mem>>
        %dma_start3A_136 = arith.constant 0 : i32
        %dma_start3A_137 = arith.constant 0 : i32
        %dma_start3A_138 = tpu.memref_slice %arg10[%run_scoped3A_134, %dma_start3A_136, %dma_start3A_137] : memref<2x128x128xf32, #tpu.memory_space<vmem>> -> memref<1x128x128xf32, #tpu.memory_space<vmem>>
        %dma_start3A_139 = tpu.memref_squeeze %dma_start3A_138 : memref<1x128x128xf32, #tpu.memory_space<vmem>> -> memref<128x128xf32, #tpu.memory_space<vmem>>
        %dma_start3A_140 = arith.constant 0 : i32
        %dma_start3A_141 = tpu.memref_slice %arg9[%add3A_133, %dma_start3A_140] : memref<124x128xi32, #tpu.memory_space<vmem>> -> memref<1x128xi32, #tpu.memory_space<vmem>>
        %dma_start3A_142 = tpu.memref_squeeze %dma_start3A_141 : memref<1x128xi32, #tpu.memory_space<vmem>> -> memref<128xi32, #tpu.memory_space<vmem>>
        %dma_start3A_143 = arith.constant 0 : i32
        %dma_start3A_144 = arith.constant 0 : i32
        %dma_start3A_145 = tpu.memref_slice %arg7[%dma_start3A_143, %dma_start3A_144] : memref<10112x128xf32, #tpu.memory_space<vmem_shared>> -> memref<10112x128xf32, #tpu.memory_space<vmem_shared>>
        tpu.enqueue_indirect_dma source(%dma_start3A_139 : memref<128x128xf32, #tpu.memory_space<vmem>>) target(%dma_start3A_145 : memref<10112x128xf32, #tpu.memory_space<vmem_shared>>) offsets(%dma_start3A_142 : memref<128xi32, #tpu.memory_space<vmem>>) semaphore(%run_scoped3A_135 : memref<!tpu.dma_semaphore, #tpu.memory_space<semaphore_mem>>) {add = true}
        %dma_wait3A_146 = arith.constant 0 : i32
        %dma_wait3A_147 = arith.constant 0 : i32
        %dma_wait3A_148 = tpu.memref_slice %arg10[%run_scoped3A_134, %dma_wait3A_146, %dma_wait3A_147] : memref<2x128x128xf32, #tpu.memory_space<vmem>> -> memref<1x128x128xf32, #tpu.memory_space<vmem>>
        %dma_wait3A_149 = tpu.memref_squeeze %dma_wait3A_148 : memref<1x128x128xf32, #tpu.memory_space<vmem>> -> memref<128x128xf32, #tpu.memory_space<vmem>>
        %dma_wait3A_150 = arith.constant 0 : i32
        %dma_wait3A_151 = tpu.memref_slice %arg9[%add3A_133, %dma_wait3A_150] : memref<124x128xi32, #tpu.memory_space<vmem>> -> memref<1x128xi32, #tpu.memory_space<vmem>>
        %dma_wait3A_152 = tpu.memref_squeeze %dma_wait3A_151 : memref<1x128xi32, #tpu.memory_space<vmem>> -> memref<128xi32, #tpu.memory_space<vmem>>
        %dma_wait3A_153 = arith.constant 0 : i32
        %dma_wait3A_154 = arith.constant 0 : i32
        %dma_wait3A_155 = tpu.memref_slice %arg7[%dma_wait3A_153, %dma_wait3A_154] : memref<10112x128xf32, #tpu.memory_space<vmem_shared>> -> memref<10112x128xf32, #tpu.memory_space<vmem_shared>>
        tpu.wait_indirect_dma semaphore(%run_scoped3A_135 : memref<!tpu.dma_semaphore, #tpu.memory_space<semaphore_mem>>) src(%dma_wait3A_149 : memref<128x128xf32, #tpu.memory_space<vmem>>) dst(%dma_wait3A_155 : memref<10112x128xf32, #tpu.memory_space<vmem_shared>>)
        tpu.yield
      }) : () -> ()
    }
    %while3A_21 = arith.constant 1 : i32
    scf.for %while3A_23 = %while3A_19 to %while3A_15 step %while3A_21  : i32 {
      %mul3A_24 = arith.muli %while3A_23, %while3A : i32
      %add3A_25 = arith.addi %while3A_12, %mul3A_24 : i32
      %mul3A_26 = arith.constant 2 : i32
      %mul3A_27 = arith.muli %add3A_25, %mul3A_26 : i32
      %add3A_28 = arith.constant 0 : i32
      %add3A_29 = arith.addi %mul3A_27, %add3A_28 : i32
      %dma_start3A = arith.constant 0 : i32
      %dma_start3A_30 = arith.constant 0 : i32
      %dma_start3A_31 = tpu.memref_slice %arg8[%dma_start3A, %dma_start3A_30] : memref<2x128xi32, #tpu.memory_space<vmem>> -> memref<1x128xi32, #tpu.memory_space<vmem>>
      %dma_start3A_32 = tpu.memref_squeeze %dma_start3A_31 : memref<1x128xi32, #tpu.memory_space<vmem>> -> memref<128xi32, #tpu.memory_space<vmem>>
      %dma_start3A_33 = arith.constant 0 : i32
      %dma_start3A_34 = tpu.memref_slice %arg3[%add3A, %add3A_29, %dma_start3A_33] : memref<32x124x128xi32, #tpu.memory_space<hbm>> -> memref<1x1x128xi32, #tpu.memory_space<hbm>>
      %dma_start3A_35 = tpu.memref_squeeze %dma_start3A_34 : memref<1x1x128xi32, #tpu.memory_space<hbm>> -> memref<128xi32, #tpu.memory_space<hbm>>
      %dma_start3A_36 = arith.constant 0 : i32
      %dma_start3A_37 = tpu.memref_slice %arg8[%dma_start3A, %dma_start3A_36] : memref<2x128xi32, #tpu.memory_space<vmem>> -> memref<1x128xi32, #tpu.memory_space<vmem>>
      %dma_start3A_38 = tpu.memref_squeeze %dma_start3A_37 : memref<1x128xi32, #tpu.memory_space<vmem>> -> memref<128xi32, #tpu.memory_space<vmem>>
      %dma_start3A_39 = arith.constant 0 : i32
      %dma_start3A_40 = tpu.memref_slice %arg3[%add3A, %add3A_29, %dma_start3A_39] : memref<32x124x128xi32, #tpu.memory_space<hbm>> -> memref<1x1x128xi32, #tpu.memory_space<hbm>>
      %dma_start3A_41 = tpu.memref_squeeze %dma_start3A_40 : memref<1x1x128xi32, #tpu.memory_space<hbm>> -> memref<128xi32, #tpu.memory_space<hbm>>
      tpu.enqueue_dma source(%dma_start3A_41 : memref<128xi32, #tpu.memory_space<hbm>>) target(%dma_start3A_38 : memref<128xi32, #tpu.memory_space<vmem>>) target_semaphore(%arg11 : memref<!tpu.dma_semaphore, #tpu.memory_space<semaphore_mem>>)
      %add3A_42 = arith.constant 1 : i32
      %add3A_43 = arith.addi %mul3A_27, %add3A_42 : i32
      %dma_start3A_44 = arith.constant 1 : i32
      %dma_start3A_45 = arith.constant 0 : i32
      %dma_start3A_46 = tpu.memref_slice %arg8[%dma_start3A_44, %dma_start3A_45] : memref<2x128xi32, #tpu.memory_space<vmem>> -> memref<1x128xi32, #tpu.memory_space<vmem>>
      %dma_start3A_47 = tpu.memref_squeeze %dma_start3A_46 : memref<1x128xi32, #tpu.memory_space<vmem>> -> memref<128xi32, #tpu.memory_space<vmem>>
      %dma_start3A_48 = arith.constant 0 : i32
      %dma_start3A_49 = tpu.memref_slice %arg3[%add3A, %add3A_43, %dma_start3A_48] : memref<32x124x128xi32, #tpu.memory_space<hbm>> -> memref<1x1x128xi32, #tpu.memory_space<hbm>>
      %dma_start3A_50 = tpu.memref_squeeze %dma_start3A_49 : memref<1x1x128xi32, #tpu.memory_space<hbm>> -> memref<128xi32, #tpu.memory_space<hbm>>
      %dma_start3A_51 = arith.constant 0 : i32
      %dma_start3A_52 = tpu.memref_slice %arg8[%dma_start3A_44, %dma_start3A_51] : memref<2x128xi32, #tpu.memory_space<vmem>> -> memref<1x128xi32, #tpu.memory_space<vmem>>
      %dma_start3A_53 = tpu.memref_squeeze %dma_start3A_52 : memref<1x128xi32, #tpu.memory_space<vmem>> -> memref<128xi32, #tpu.memory_space<vmem>>
      %dma_start3A_54 = arith.constant 0 : i32
      %dma_start3A_55 = tpu.memref_slice %arg3[%add3A, %add3A_43, %dma_start3A_54] : memref<32x124x128xi32, #tpu.memory_space<hbm>> -> memref<1x1x128xi32, #tpu.memory_space<hbm>>
      %dma_start3A_56 = tpu.memref_squeeze %dma_start3A_55 : memref<1x1x128xi32, #tpu.memory_space<hbm>> -> memref<128xi32, #tpu.memory_space<hbm>>
      tpu.enqueue_dma source(%dma_start3A_56 : memref<128xi32, #tpu.memory_space<hbm>>) target(%dma_start3A_53 : memref<128xi32, #tpu.memory_space<vmem>>) target_semaphore(%arg12 : memref<!tpu.dma_semaphore, #tpu.memory_space<semaphore_mem>>)
      %dma_wait3A = arith.constant 0 : i32
      %dma_wait3A_57 = arith.constant 0 : i32
      %dma_wait3A_58 = tpu.memref_slice %arg8[%dma_wait3A, %dma_wait3A_57] : memref<2x128xi32, #tpu.memory_space<vmem>> -> memref<1x128xi32, #tpu.memory_space<vmem>>
      %dma_wait3A_59 = tpu.memref_squeeze %dma_wait3A_58 : memref<1x128xi32, #tpu.memory_space<vmem>> -> memref<128xi32, #tpu.memory_space<vmem>>
      %dma_wait3A_60 = arith.constant 0 : i32
      %dma_wait3A_61 = tpu.memref_slice %arg3[%add3A, %add3A_29, %dma_wait3A_60] : memref<32x124x128xi32, #tpu.memory_space<hbm>> -> memref<1x1x128xi32, #tpu.memory_space<hbm>>
      %dma_wait3A_62 = tpu.memref_squeeze %dma_wait3A_61 : memref<1x1x128xi32, #tpu.memory_space<hbm>> -> memref<128xi32, #tpu.memory_space<hbm>>
      %dma_wait3A_63 = arith.constant 0 : i32
      %dma_wait3A_64 = tpu.memref_slice %arg8[%dma_wait3A, %dma_wait3A_63] : memref<2x128xi32, #tpu.memory_space<vmem>> -> memref<1x128xi32, #tpu.memory_space<vmem>>
      %dma_wait3A_65 = tpu.memref_squeeze %dma_wait3A_64 : memref<1x128xi32, #tpu.memory_space<vmem>> -> memref<128xi32, #tpu.memory_space<vmem>>
      %dma_wait3A_66 = arith.constant 0 : i32
      %dma_wait3A_67 = tpu.memref_slice %arg3[%add3A, %add3A_29, %dma_wait3A_66] : memref<32x124x128xi32, #tpu.memory_space<hbm>> -> memref<1x1x128xi32, #tpu.memory_space<hbm>>
      %dma_wait3A_68 = tpu.memref_squeeze %dma_wait3A_67 : memref<1x1x128xi32, #tpu.memory_space<hbm>> -> memref<128xi32, #tpu.memory_space<hbm>>
      tpu.wait_dma2 semaphore(%arg11 : memref<!tpu.dma_semaphore, #tpu.memory_space<semaphore_mem>>) src(%dma_wait3A_68 : memref<128xi32, #tpu.memory_space<hbm>>) dst(%dma_wait3A_65 : memref<128xi32, #tpu.memory_space<vmem>>)
      %dma_start3A_69 = arith.constant 0 : i32
      %dma_start3A_70 = arith.constant 0 : i32
      %dma_start3A_71 = arith.constant 0 : i32
      %dma_start3A_72 = arith.constant 0 : i32
      %dma_start3A_73 = tpu.memref_slice %arg10[%dma_start3A_70, %dma_start3A_71, %dma_start3A_72] : memref<2x128x128xf32, #tpu.memory_space<vmem>> -> memref<1x128x128xf32, #tpu.memory_space<vmem>>
      %dma_start3A_74 = tpu.memref_squeeze %dma_start3A_73 : memref<1x128x128xf32, #tpu.memory_space<vmem>> -> memref<128x128xf32, #tpu.memory_space<vmem>>
      %dma_start3A_75 = arith.constant 0 : i32
      %dma_start3A_76 = tpu.memref_slice %arg8[%dma_start3A_69, %dma_start3A_75] : memref<2x128xi32, #tpu.memory_space<vmem>> -> memref<1x128xi32, #tpu.memory_space<vmem>>
      %dma_start3A_77 = tpu.memref_squeeze %dma_start3A_76 : memref<1x128xi32, #tpu.memory_space<vmem>> -> memref<128xi32, #tpu.memory_space<vmem>>
      %dma_start3A_78 = arith.constant 0 : i32
      %dma_start3A_79 = arith.constant 0 : i32
      %dma_start3A_80 = tpu.memref_slice %arg2[%dma_start3A_78, %dma_start3A_79] : memref<10000x128xf32, #tpu.memory_space<hbm>> -> memref<10000x128xf32, #tpu.memory_space<hbm>>
      tpu.enqueue_indirect_dma source(%dma_start3A_80 : memref<10000x128xf32, #tpu.memory_space<hbm>>) target(%dma_start3A_74 : memref<128x128xf32, #tpu.memory_space<vmem>>) offsets(%dma_start3A_77 : memref<128xi32, #tpu.memory_space<vmem>>) semaphore(%arg13 : memref<!tpu.dma_semaphore, #tpu.memory_space<semaphore_mem>>)
      %dma_wait3A_81 = arith.constant 1 : i32
      %dma_wait3A_82 = arith.constant 0 : i32
      %dma_wait3A_83 = tpu.memref_slice %arg8[%dma_wait3A_81, %dma_wait3A_82] : memref<2x128xi32, #tpu.memory_space<vmem>> -> memref<1x128xi32, #tpu.memory_space<vmem>>
      %dma_wait3A_84 = tpu.memref_squeeze %dma_wait3A_83 : memref<1x128xi32, #tpu.memory_space<vmem>> -> memref<128xi32, #tpu.memory_space<vmem>>
      %dma_wait3A_85 = arith.constant 0 : i32
      %dma_wait3A_86 = tpu.memref_slice %arg3[%add3A, %add3A_43, %dma_wait3A_85] : memref<32x124x128xi32, #tpu.memory_space<hbm>> -> memref<1x1x128xi32, #tpu.memory_space<hbm>>
      %dma_wait3A_87 = tpu.memref_squeeze %dma_wait3A_86 : memref<1x1x128xi32, #tpu.memory_space<hbm>> -> memref<128xi32, #tpu.memory_space<hbm>>
      %dma_wait3A_88 = arith.constant 0 : i32
      %dma_wait3A_89 = tpu.memref_slice %arg8[%dma_wait3A_81, %dma_wait3A_88] : memref<2x128xi32, #tpu.memory_space<vmem>> -> memref<1x128xi32, #tpu.memory_space<vmem>>
      %dma_wait3A_90 = tpu.memref_squeeze %dma_wait3A_89 : memref<1x128xi32, #tpu.memory_space<vmem>> -> memref<128xi32, #tpu.memory_space<vmem>>
      %dma_wait3A_91 = arith.constant 0 : i32
      %dma_wait3A_92 = tpu.memref_slice %arg3[%add3A, %add3A_43, %dma_wait3A_91] : memref<32x124x128xi32, #tpu.memory_space<hbm>> -> memref<1x1x128xi32, #tpu.memory_space<hbm>>
      %dma_wait3A_93 = tpu.memref_squeeze %dma_wait3A_92 : memref<1x1x128xi32, #tpu.memory_space<hbm>> -> memref<128xi32, #tpu.memory_space<hbm>>
      tpu.wait_dma2 semaphore(%arg12 : memref<!tpu.dma_semaphore, #tpu.memory_space<semaphore_mem>>) src(%dma_wait3A_93 : memref<128xi32, #tpu.memory_space<hbm>>) dst(%dma_wait3A_90 : memref<128xi32, #tpu.memory_space<vmem>>)
      %dma_start3A_94 = arith.constant 1 : i32
      %dma_start3A_95 = arith.constant 1 : i32
      %dma_start3A_96 = arith.constant 0 : i32
      %dma_start3A_97 = arith.constant 0 : i32
      %dma_start3A_98 = tpu.memref_slice %arg10[%dma_start3A_95, %dma_start3A_96, %dma_start3A_97] : memref<2x128x128xf32, #tpu.memory_space<vmem>> -> memref<1x128x128xf32, #tpu.memory_space<vmem>>
      %dma_start3A_99 = tpu.memref_squeeze %dma_start3A_98 : memref<1x128x128xf32, #tpu.memory_space<vmem>> -> memref<128x128xf32, #tpu.memory_space<vmem>>
      %dma_start3A_100 = arith.constant 0 : i32
      %dma_start3A_101 = tpu.memref_slice %arg8[%dma_start3A_94, %dma_start3A_100] : memref<2x128xi32, #tpu.memory_space<vmem>> -> memref<1x128xi32, #tpu.memory_space<vmem>>
      %dma_start3A_102 = tpu.memref_squeeze %dma_start3A_101 : memref<1x128xi32, #tpu.memory_space<vmem>> -> memref<128xi32, #tpu.memory_space<vmem>>
      %dma_start3A_103 = arith.constant 0 : i32
      %dma_start3A_104 = arith.constant 0 : i32
      %dma_start3A_105 = tpu.memref_slice %arg2[%dma_start3A_103, %dma_start3A_104] : memref<10000x128xf32, #tpu.memory_space<hbm>> -> memref<10000x128xf32, #tpu.memory_space<hbm>>
      tpu.enqueue_indirect_dma source(%dma_start3A_105 : memref<10000x128xf32, #tpu.memory_space<hbm>>) target(%dma_start3A_99 : memref<128x128xf32, #tpu.memory_space<vmem>>) offsets(%dma_start3A_102 : memref<128xi32, #tpu.memory_space<vmem>>) semaphore(%arg14 : memref<!tpu.dma_semaphore, #tpu.memory_space<semaphore_mem>>)
      %dma_wait3A_106 = arith.constant 0 : i32
      %dma_wait3A_107 = arith.constant 0 : i32
      %dma_wait3A_108 = arith.constant 0 : i32
      %dma_wait3A_109 = arith.constant 0 : i32
      %dma_wait3A_110 = tpu.memref_slice %arg10[%dma_wait3A_107, %dma_wait3A_108, %dma_wait3A_109] : memref<2x128x128xf32, #tpu.memory_space<vmem>> -> memref<1x128x128xf32, #tpu.memory_space<vmem>>
      %dma_wait3A_111 = tpu.memref_squeeze %dma_wait3A_110 : memref<1x128x128xf32, #tpu.memory_space<vmem>> -> memref<128x128xf32, #tpu.memory_space<vmem>>
      %dma_wait3A_112 = arith.constant 0 : i32
      %dma_wait3A_113 = tpu.memref_slice %arg8[%dma_wait3A_106, %dma_wait3A_112] : memref<2x128xi32, #tpu.memory_space<vmem>> -> memref<1x128xi32, #tpu.memory_space<vmem>>
      %dma_wait3A_114 = tpu.memref_squeeze %dma_wait3A_113 : memref<1x128xi32, #tpu.memory_space<vmem>> -> memref<128xi32, #tpu.memory_space<vmem>>
      %dma_wait3A_115 = arith.constant 0 : i32
      %dma_wait3A_116 = arith.constant 0 : i32
      %dma_wait3A_117 = tpu.memref_slice %arg2[%dma_wait3A_115, %dma_wait3A_116] : memref<10000x128xf32, #tpu.memory_space<hbm>> -> memref<10000x128xf32, #tpu.memory_space<hbm>>
      tpu.wait_indirect_dma semaphore(%arg13 : memref<!tpu.dma_semaphore, #tpu.memory_space<semaphore_mem>>) src(%dma_wait3A_117 : memref<10000x128xf32, #tpu.memory_space<hbm>>) dst(%dma_wait3A_111 : memref<128x128xf32, #tpu.memory_space<vmem>>)
      %add3A_118 = arith.constant 0 : i32
      %add3A_119 = arith.addi %mul3A_27, %add3A_118 : i32
      %run_scoped3A = arith.constant 0 : i32
      "tpu.region"() ({
        %run_scoped3A_135 = tpu.sem_alloc : memref<!tpu.dma_semaphore, #tpu.memory_space<semaphore_mem>>
        %dma_start3A_136 = arith.constant 0 : i32
        %dma_start3A_137 = arith.constant 0 : i32
        %dma_start3A_138 = tpu.memref_slice %arg10[%run_scoped3A, %dma_start3A_136, %dma_start3A_137] : memref<2x128x128xf32, #tpu.memory_space<vmem>> -> memref<1x128x128xf32, #tpu.memory_space<vmem>>
        %dma_start3A_139 = tpu.memref_squeeze %dma_start3A_138 : memref<1x128x128xf32, #tpu.memory_space<vmem>> -> memref<128x128xf32, #tpu.memory_space<vmem>>
        %dma_start3A_140 = arith.constant 0 : i32
        %dma_start3A_141 = tpu.memref_slice %arg9[%add3A_119, %dma_start3A_140] : memref<124x128xi32, #tpu.memory_space<vmem>> -> memref<1x128xi32, #tpu.memory_space<vmem>>
        %dma_start3A_142 = tpu.memref_squeeze %dma_start3A_141 : memref<1x128xi32, #tpu.memory_space<vmem>> -> memref<128xi32, #tpu.memory_space<vmem>>
        %dma_start3A_143 = arith.constant 0 : i32
        %dma_start3A_144 = arith.constant 0 : i32
        %dma_start3A_145 = tpu.memref_slice %arg7[%dma_start3A_143, %dma_start3A_144] : memref<10112x128xf32, #tpu.memory_space<vmem_shared>> -> memref<10112x128xf32, #tpu.memory_space<vmem_shared>>
        tpu.enqueue_indirect_dma source(%dma_start3A_139 : memref<128x128xf32, #tpu.memory_space<vmem>>) target(%dma_start3A_145 : memref<10112x128xf32, #tpu.memory_space<vmem_shared>>) offsets(%dma_start3A_142 : memref<128xi32, #tpu.memory_space<vmem>>) semaphore(%run_scoped3A_135 : memref<!tpu.dma_semaphore, #tpu.memory_space<semaphore_mem>>) {add = true}
        %dma_wait3A_146 = arith.constant 0 : i32
        %dma_wait3A_147 = arith.constant 0 : i32
        %dma_wait3A_148 = tpu.memref_slice %arg10[%run_scoped3A, %dma_wait3A_146, %dma_wait3A_147] : memref<2x128x128xf32, #tpu.memory_space<vmem>> -> memref<1x128x128xf32, #tpu.memory_space<vmem>>
        %dma_wait3A_149 = tpu.memref_squeeze %dma_wait3A_148 : memref<1x128x128xf32, #tpu.memory_space<vmem>> -> memref<128x128xf32, #tpu.memory_space<vmem>>
        %dma_wait3A_150 = arith.constant 0 : i32
        %dma_wait3A_151 = tpu.memref_slice %arg9[%add3A_119, %dma_wait3A_150] : memref<124x128xi32, #tpu.memory_space<vmem>> -> memref<1x128xi32, #tpu.memory_space<vmem>>
        %dma_wait3A_152 = tpu.memref_squeeze %dma_wait3A_151 : memref<1x128xi32, #tpu.memory_space<vmem>> -> memref<128xi32, #tpu.memory_space<vmem>>
        %dma_wait3A_153 = arith.constant 0 : i32
        %dma_wait3A_154 = arith.constant 0 : i32
        %dma_wait3A_155 = tpu.memref_slice %arg7[%dma_wait3A_153, %dma_wait3A_154] : memref<10112x128xf32, #tpu.memory_space<vmem_shared>> -> memref<10112x128xf32, #tpu.memory_space<vmem_shared>>
        tpu.wait_indirect_dma semaphore(%run_scoped3A_135 : memref<!tpu.dma_semaphore, #tpu.memory_space<semaphore_mem>>) src(%dma_wait3A_149 : memref<128x128xf32, #tpu.memory_space<vmem>>) dst(%dma_wait3A_155 : memref<10112x128xf32, #tpu.memory_space<vmem_shared>>)
        tpu.yield
      }) : () -> ()
      %dma_wait3A_120 = arith.constant 1 : i32
      %dma_wait3A_121 = arith.constant 1 : i32
      %dma_wait3A_122 = arith.constant 0 : i32
      %dma_wait3A_123 = arith.constant 0 : i32
      %dma_wait3A_124 = tpu.memref_slice %arg10[%dma_wait3A_121, %dma_wait3A_122, %dma_wait3A_123] : memref<2x128x128xf32, #tpu.memory_space<vmem>> -> memref<1x128x128xf32, #tpu.memory_space<vmem>>
      %dma_wait3A_125 = tpu.memref_squeeze %dma_wait3A_124 : memref<1x128x128xf32, #tpu.memory_space<vmem>> -> memref<128x128xf32, #tpu.memory_space<vmem>>
      %dma_wait3A_126 = arith.constant 0 : i32
      %dma_wait3A_127 = tpu.memref_slice %arg8[%dma_wait3A_120, %dma_wait3A_126] : memref<2x128xi32, #tpu.memory_space<vmem>> -> memref<1x128xi32, #tpu.memory_space<vmem>>
      %dma_wait3A_128 = tpu.memref_squeeze %dma_wait3A_127 : memref<1x128xi32, #tpu.memory_space<vmem>> -> memref<128xi32, #tpu.memory_space<vmem>>
      %dma_wait3A_129 = arith.constant 0 : i32
      %dma_wait3A_130 = arith.constant 0 : i32
      %dma_wait3A_131 = tpu.memref_slice %arg2[%dma_wait3A_129, %dma_wait3A_130] : memref<10000x128xf32, #tpu.memory_space<hbm>> -> memref<10000x128xf32, #tpu.memory_space<hbm>>
      tpu.wait_indirect_dma semaphore(%arg14 : memref<!tpu.dma_semaphore, #tpu.memory_space<semaphore_mem>>) src(%dma_wait3A_131 : memref<10000x128xf32, #tpu.memory_space<hbm>>) dst(%dma_wait3A_125 : memref<128x128xf32, #tpu.memory_space<vmem>>)
      %add3A_132 = arith.constant 1 : i32
      %add3A_133 = arith.addi %mul3A_27, %add3A_132 : i32
      %run_scoped3A_134 = arith.constant 1 : i32
      "tpu.region"() ({
        %run_scoped3A_135 = tpu.sem_alloc : memref<!tpu.dma_semaphore, #tpu.memory_space<semaphore_mem>>
        %dma_start3A_136 = arith.constant 0 : i32
        %dma_start3A_137 = arith.constant 0 : i32
        %dma_start3A_138 = tpu.memref_slice %arg10[%run_scoped3A_134, %dma_start3A_136, %dma_start3A_137] : memref<2x128x128xf32, #tpu.memory_space<vmem>> -> memref<1x128x128xf32, #tpu.memory_space<vmem>>
        %dma_start3A_139 = tpu.memref_squeeze %dma_start3A_138 : memref<1x128x128xf32, #tpu.memory_space<vmem>> -> memref<128x128xf32, #tpu.memory_space<vmem>>
        %dma_start3A_140 = arith.constant 0 : i32
        %dma_start3A_141 = tpu.memref_slice %arg9[%add3A_133, %dma_start3A_140] : memref<124x128xi32, #tpu.memory_space<vmem>> -> memref<1x128xi32, #tpu.memory_space<vmem>>
        %dma_start3A_142 = tpu.memref_squeeze %dma_start3A_141 : memref<1x128xi32, #tpu.memory_space<vmem>> -> memref<128xi32, #tpu.memory_space<vmem>>
        %dma_start3A_143 = arith.constant 0 : i32
        %dma_start3A_144 = arith.constant 0 : i32
        %dma_start3A_145 = tpu.memref_slice %arg7[%dma_start3A_143, %dma_start3A_144] : memref<10112x128xf32, #tpu.memory_space<vmem_shared>> -> memref<10112x128xf32, #tpu.memory_space<vmem_shared>>
        tpu.enqueue_indirect_dma source(%dma_start3A_139 : memref<128x128xf32, #tpu.memory_space<vmem>>) target(%dma_start3A_145 : memref<10112x128xf32, #tpu.memory_space<vmem_shared>>) offsets(%dma_start3A_142 : memref<128xi32, #tpu.memory_space<vmem>>) semaphore(%run_scoped3A_135 : memref<!tpu.dma_semaphore, #tpu.memory_space<semaphore_mem>>) {add = true}
        %dma_wait3A_146 = arith.constant 0 : i32
        %dma_wait3A_147 = arith.constant 0 : i32
        %dma_wait3A_148 = tpu.memref_slice %arg10[%run_scoped3A_134, %dma_wait3A_146, %dma_wait3A_147] : memref<2x128x128xf32, #tpu.memory_space<vmem>> -> memref<1x128x128xf32, #tpu.memory_space<vmem>>
        %dma_wait3A_149 = tpu.memref_squeeze %dma_wait3A_148 : memref<1x128x128xf32, #tpu.memory_space<vmem>> -> memref<128x128xf32, #tpu.memory_space<vmem>>
        %dma_wait3A_150 = arith.constant 0 : i32
        %dma_wait3A_151 = tpu.memref_slice %arg9[%add3A_133, %dma_wait3A_150] : memref<124x128xi32, #tpu.memory_space<vmem>> -> memref<1x128xi32, #tpu.memory_space<vmem>>
        %dma_wait3A_152 = tpu.memref_squeeze %dma_wait3A_151 : memref<1x128xi32, #tpu.memory_space<vmem>> -> memref<128xi32, #tpu.memory_space<vmem>>
        %dma_wait3A_153 = arith.constant 0 : i32
        %dma_wait3A_154 = arith.constant 0 : i32
        %dma_wait3A_155 = tpu.memref_slice %arg7[%dma_wait3A_153, %dma_wait3A_154] : memref<10112x128xf32, #tpu.memory_space<vmem_shared>> -> memref<10112x128xf32, #tpu.memory_space<vmem_shared>>
        tpu.wait_indirect_dma semaphore(%run_scoped3A_135 : memref<!tpu.dma_semaphore, #tpu.memory_space<semaphore_mem>>) src(%dma_wait3A_149 : memref<128x128xf32, #tpu.memory_space<vmem>>) dst(%dma_wait3A_155 : memref<10112x128xf32, #tpu.memory_space<vmem_shared>>)
        tpu.yield
      }) : () -> ()
    }
    %barrier3A_22 = arith.constant 0 : index
    tpu.barrier barrier_id(%barrier3A_22)
    "tpu.region"() ({
      %run_scoped3A = tpu.sem_alloc : memref<!tpu.dma_semaphore, #tpu.memory_space<semaphore_mem>>
      %dma_start3A = arith.constant 0 : i32
      %dma_start3A_23 = tpu.memref_slice %arg6[%arg0, %mul3A_2, %dma_start3A] : memref<2x10112x128xf32, #tpu.memory_space<hbm>> -> memref<1x632x128xf32, #tpu.memory_space<hbm>>
      %dma_start3A_24 = tpu.memref_squeeze %dma_start3A_23 : memref<1x632x128xf32, #tpu.memory_space<hbm>> -> memref<632x128xf32, #tpu.memory_space<hbm>>
      %dma_start3A_25 = arith.constant 0 : i32
      %dma_start3A_26 = tpu.memref_slice %arg7[%mul3A_2, %dma_start3A_25] : memref<10112x128xf32, #tpu.memory_space<vmem_shared>> -> memref<632x128xf32, #tpu.memory_space<vmem_shared>>
      tpu.enqueue_dma source(%dma_start3A_26 : memref<632x128xf32, #tpu.memory_space<vmem_shared>>) target(%dma_start3A_24 : memref<632x128xf32, #tpu.memory_space<hbm>>) target_semaphore(%run_scoped3A : memref<!tpu.dma_semaphore, #tpu.memory_space<semaphore_mem>>)
      %dma_wait3A = arith.constant 0 : i32
      %dma_wait3A_27 = tpu.memref_slice %arg6[%arg0, %mul3A_2, %dma_wait3A] : memref<2x10112x128xf32, #tpu.memory_space<hbm>> -> memref<1x632x128xf32, #tpu.memory_space<hbm>>
      %dma_wait3A_28 = tpu.memref_squeeze %dma_wait3A_27 : memref<1x632x128xf32, #tpu.memory_space<hbm>> -> memref<632x128xf32, #tpu.memory_space<hbm>>
      %dma_wait3A_29 = arith.constant 0 : i32
      %dma_wait3A_30 = tpu.memref_slice %arg7[%mul3A_2, %dma_wait3A_29] : memref<10112x128xf32, #tpu.memory_space<vmem_shared>> -> memref<632x128xf32, #tpu.memory_space<vmem_shared>>
      tpu.wait_dma2 semaphore(%run_scoped3A : memref<!tpu.dma_semaphore, #tpu.memory_space<semaphore_mem>>) src(%dma_wait3A_30 : memref<632x128xf32, #tpu.memory_space<vmem_shared>>) dst(%dma_wait3A_28 : memref<632x128xf32, #tpu.memory_space<hbm>>)
      tpu.yield
    }) : () -> ()
    return
  }
}

#map = affine_map<(d0, d1) -> (0, 0)>
#map1 = affine_map<(d0, d1) -> (0, 0, 0)>
module attributes {stable_mosaic.version = 14 : i64} {
  func.func @_sc_edge_pass(%arg0: i32, %arg1: i32, %arg2: memref<10000x128xf32, #tpu.memory_space<hbm>>, %arg3: memref<32x124x128xi32, #tpu.memory_space<hbm>>, %arg4: memref<32x124x128xi32, #tpu.memory_space<hbm>>, %arg5: memref<10112x128xf32, #tpu.memory_space<hbm>>, %arg6: memref<2x10112x128xf32, #tpu.memory_space<hbm>>, %arg7: memref<10112x128xf32, #tpu.memory_space<vmem_shared>>, %arg8: memref<2x128xi32, #tpu.memory_space<vmem>>, %arg9: memref<124x128xi32, #tpu.memory_space<vmem>>, %arg10: memref<2x128x128xf32, #tpu.memory_space<vmem>>, %arg11: memref<!tpu.dma_semaphore, #tpu.memory_space<semaphore_mem>>, %arg12: memref<!tpu.dma_semaphore, #tpu.memory_space<semaphore_mem>>, %arg13: memref<!tpu.dma_semaphore, #tpu.memory_space<semaphore_mem>>, %arg14: memref<!tpu.dma_semaphore, #tpu.memory_space<semaphore_mem>>) attributes {dimension_semantics = [#tpu.dimension_semantics<core_parallel>, #tpu.dimension_semantics<subcore_parallel>], iteration_bounds = array<i64: 2, 16>, scalar_prefetch = 0 : i64, scratch_operands = 8 : i64, tpu.core_type = #tpu.core_type<sc_vector_subcore>, window_params = [{transform_indices = #map}, {transform_indices = #map1}, {transform_indices = #map1}, {transform_indices = #map}, {transform_indices = #map1}]} {
    %mul3A = arith.constant 16 : i32
    %mul3A_0 = arith.muli %arg0, %mul3A : i32
    %add3A = arith.addi %mul3A_0, %arg1 : i32
    %mul3A_1 = arith.constant 632 : i32
    %mul3A_2 = arith.muli %arg1, %mul3A_1 : i32
    "tpu.region"() ({
      %run_scoped3A = tpu.sem_alloc : memref<!tpu.dma_semaphore, #tpu.memory_space<semaphore_mem>>
      %dma_start3A = arith.constant 0 : i32
      %dma_start3A_23 = tpu.memref_slice %arg7[%mul3A_2, %dma_start3A] : memref<10112x128xf32, #tpu.memory_space<vmem_shared>> -> memref<632x128xf32, #tpu.memory_space<vmem_shared>>
      %dma_start3A_24 = arith.constant 0 : i32
      %dma_start3A_25 = tpu.memref_slice %arg5[%mul3A_2, %dma_start3A_24] : memref<10112x128xf32, #tpu.memory_space<hbm>> -> memref<632x128xf32, #tpu.memory_space<hbm>>
      tpu.enqueue_dma source(%dma_start3A_25 : memref<632x128xf32, #tpu.memory_space<hbm>>) target(%dma_start3A_23 : memref<632x128xf32, #tpu.memory_space<vmem_shared>>) target_semaphore(%run_scoped3A : memref<!tpu.dma_semaphore, #tpu.memory_space<semaphore_mem>>)
      %dma_wait3A = arith.constant 0 : i32
      %dma_wait3A_26 = tpu.memref_slice %arg7[%mul3A_2, %dma_wait3A] : memref<10112x128xf32, #tpu.memory_space<vmem_shared>> -> memref<632x128xf32, #tpu.memory_space<vmem_shared>>
      %dma_wait3A_27 = arith.constant 0 : i32
      %dma_wait3A_28 = tpu.memref_slice %arg5[%mul3A_2, %dma_wait3A_27] : memref<10112x128xf32, #tpu.memory_space<hbm>> -> memref<632x128xf32, #tpu.memory_space<hbm>>
      tpu.wait_dma2 semaphore(%run_scoped3A : memref<!tpu.dma_semaphore, #tpu.memory_space<semaphore_mem>>) src(%dma_wait3A_28 : memref<632x128xf32, #tpu.memory_space<hbm>>) dst(%dma_wait3A_26 : memref<632x128xf32, #tpu.memory_space<vmem_shared>>)
      tpu.yield
    }) : () -> ()
    "tpu.region"() ({
      %run_scoped3A = tpu.sem_alloc : memref<!tpu.dma_semaphore, #tpu.memory_space<semaphore_mem>>
      %dma_start3A = arith.constant 0 : i32
      %dma_start3A_23 = arith.constant 0 : i32
      %dma_start3A_24 = tpu.memref_slice %arg4[%add3A, %dma_start3A, %dma_start3A_23] : memref<32x124x128xi32, #tpu.memory_space<hbm>> -> memref<1x124x128xi32, #tpu.memory_space<hbm>>
      %dma_start3A_25 = tpu.memref_squeeze %dma_start3A_24 : memref<1x124x128xi32, #tpu.memory_space<hbm>> -> memref<124x128xi32, #tpu.memory_space<hbm>>
      %dma_start3A_26 = arith.constant 0 : i32
      %dma_start3A_27 = arith.constant 0 : i32
      %dma_start3A_28 = tpu.memref_slice %arg4[%add3A, %dma_start3A_26, %dma_start3A_27] : memref<32x124x128xi32, #tpu.memory_space<hbm>> -> memref<1x124x128xi32, #tpu.memory_space<hbm>>
      %dma_start3A_29 = tpu.memref_squeeze %dma_start3A_28 : memref<1x124x128xi32, #tpu.memory_space<hbm>> -> memref<124x128xi32, #tpu.memory_space<hbm>>
      tpu.enqueue_dma source(%dma_start3A_29 : memref<124x128xi32, #tpu.memory_space<hbm>>) target(%arg9 : memref<124x128xi32, #tpu.memory_space<vmem>>) target_semaphore(%run_scoped3A : memref<!tpu.dma_semaphore, #tpu.memory_space<semaphore_mem>>)
      %dma_wait3A = arith.constant 0 : i32
      %dma_wait3A_30 = arith.constant 0 : i32
      %dma_wait3A_31 = tpu.memref_slice %arg4[%add3A, %dma_wait3A, %dma_wait3A_30] : memref<32x124x128xi32, #tpu.memory_space<hbm>> -> memref<1x124x128xi32, #tpu.memory_space<hbm>>
      %dma_wait3A_32 = tpu.memref_squeeze %dma_wait3A_31 : memref<1x124x128xi32, #tpu.memory_space<hbm>> -> memref<124x128xi32, #tpu.memory_space<hbm>>
      %dma_wait3A_33 = arith.constant 0 : i32
      %dma_wait3A_34 = arith.constant 0 : i32
      %dma_wait3A_35 = tpu.memref_slice %arg4[%add3A, %dma_wait3A_33, %dma_wait3A_34] : memref<32x124x128xi32, #tpu.memory_space<hbm>> -> memref<1x124x128xi32, #tpu.memory_space<hbm>>
      %dma_wait3A_36 = tpu.memref_squeeze %dma_wait3A_35 : memref<1x124x128xi32, #tpu.memory_space<hbm>> -> memref<124x128xi32, #tpu.memory_space<hbm>>
      tpu.wait_dma2 semaphore(%run_scoped3A : memref<!tpu.dma_semaphore, #tpu.memory_space<semaphore_mem>>) src(%dma_wait3A_36 : memref<124x128xi32, #tpu.memory_space<hbm>>) dst(%arg9 : memref<124x128xi32, #tpu.memory_space<vmem>>)
      tpu.yield
    }) : () -> ()
    %barrier3A = arith.constant 0 : index
    tpu.barrier barrier_id(%barrier3A)
    %eq3A = arith.constant 0 : i32
    %eq3A_3 = arith.cmpi eq, %arg0, %eq3A : i32
    %select_n3A = arith.constant 18 : i32
    %select_n3A_4 = arith.constant 62 : i32
    %select_n3A_5 = arith.select %eq3A_3, %select_n3A_4, %select_n3A : i32
    %sub3A = arith.constant 0 : i32
    %sub3A_6 = arith.subi %select_n3A_5, %sub3A : i32
    %sub3A_7 = arith.constant 1 : i32
    %sub3A_8 = arith.constant 1 : i32
    %sub3A_9 = arith.subi %sub3A_7, %sub3A_8 : i32
    %add3A_10 = arith.addi %sub3A_6, %sub3A_9 : i32
    %div3A = arith.constant 1 : i32
    %div3A_11 = arith.divsi %add3A_10, %div3A : i32
    %while3A = arith.constant 1 : i32
    %while3A_12 = arith.constant 0 : i32
    %while3A_13 = arith.constant 0 : i32
    %while3A_14 = arith.subi %div3A_11, %while3A_13 : i32
    %while3A_15 = arith.addi %while3A_13, %while3A_14 : i32
    %while3A_16 = arith.constant 1 : i32
    %while3A_17 = arith.divsi %while3A_14, %while3A_16 : i32
    %while3A_18 = arith.muli %while3A_17, %while3A_16 : i32
    %while3A_19 = arith.addi %while3A_13, %while3A_18 : i32
    %while3A_20 = arith.constant 1 : i32
    scf.for %while3A_23 = %while3A_13 to %while3A_19 step %while3A_20  : i32 {
      %mul3A_24 = arith.muli %while3A_23, %while3A : i32
      %add3A_25 = arith.addi %while3A_12, %mul3A_24 : i32
      %mul3A_26 = arith.constant 2 : i32
      %mul3A_27 = arith.muli %add3A_25, %mul3A_26 : i32
      %add3A_28 = arith.constant 0 : i32
      %add3A_29 = arith.addi %mul3A_27, %add3A_28 : i32
      %dma_start3A = arith.constant 0 : i32
      %dma_start3A_30 = arith.constant 0 : i32
      %dma_start3A_31 = tpu.memref_slice %arg8[%dma_start3A, %dma_start3A_30] : memref<2x128xi32, #tpu.memory_space<vmem>> -> memref<1x128xi32, #tpu.memory_space<vmem>>
      %dma_start3A_32 = tpu.memref_squeeze %dma_start3A_31 : memref<1x128xi32, #tpu.memory_space<vmem>> -> memref<128xi32, #tpu.memory_space<vmem>>
      %dma_start3A_33 = arith.constant 0 : i32
      %dma_start3A_34 = tpu.memref_slice %arg3[%add3A, %add3A_29, %dma_start3A_33] : memref<32x124x128xi32, #tpu.memory_space<hbm>> -> memref<1x1x128xi32, #tpu.memory_space<hbm>>
      %dma_start3A_35 = tpu.memref_squeeze %dma_start3A_34 : memref<1x1x128xi32, #tpu.memory_space<hbm>> -> memref<128xi32, #tpu.memory_space<hbm>>
      %dma_start3A_36 = arith.constant 0 : i32
      %dma_start3A_37 = tpu.memref_slice %arg8[%dma_start3A, %dma_start3A_36] : memref<2x128xi32, #tpu.memory_space<vmem>> -> memref<1x128xi32, #tpu.memory_space<vmem>>
      %dma_start3A_38 = tpu.memref_squeeze %dma_start3A_37 : memref<1x128xi32, #tpu.memory_space<vmem>> -> memref<128xi32, #tpu.memory_space<vmem>>
      %dma_start3A_39 = arith.constant 0 : i32
      %dma_start3A_40 = tpu.memref_slice %arg3[%add3A, %add3A_29, %dma_start3A_39] : memref<32x124x128xi32, #tpu.memory_space<hbm>> -> memref<1x1x128xi32, #tpu.memory_space<hbm>>
      %dma_start3A_41 = tpu.memref_squeeze %dma_start3A_40 : memref<1x1x128xi32, #tpu.memory_space<hbm>> -> memref<128xi32, #tpu.memory_space<hbm>>
      tpu.enqueue_dma source(%dma_start3A_41 : memref<128xi32, #tpu.memory_space<hbm>>) target(%dma_start3A_38 : memref<128xi32, #tpu.memory_space<vmem>>) target_semaphore(%arg11 : memref<!tpu.dma_semaphore, #tpu.memory_space<semaphore_mem>>)
      %add3A_42 = arith.constant 1 : i32
      %add3A_43 = arith.addi %mul3A_27, %add3A_42 : i32
      %dma_start3A_44 = arith.constant 1 : i32
      %dma_start3A_45 = arith.constant 0 : i32
      %dma_start3A_46 = tpu.memref_slice %arg8[%dma_start3A_44, %dma_start3A_45] : memref<2x128xi32, #tpu.memory_space<vmem>> -> memref<1x128xi32, #tpu.memory_space<vmem>>
      %dma_start3A_47 = tpu.memref_squeeze %dma_start3A_46 : memref<1x128xi32, #tpu.memory_space<vmem>> -> memref<128xi32, #tpu.memory_space<vmem>>
      %dma_start3A_48 = arith.constant 0 : i32
      %dma_start3A_49 = tpu.memref_slice %arg3[%add3A, %add3A_43, %dma_start3A_48] : memref<32x124x128xi32, #tpu.memory_space<hbm>> -> memref<1x1x128xi32, #tpu.memory_space<hbm>>
      %dma_start3A_50 = tpu.memref_squeeze %dma_start3A_49 : memref<1x1x128xi32, #tpu.memory_space<hbm>> -> memref<128xi32, #tpu.memory_space<hbm>>
      %dma_start3A_51 = arith.constant 0 : i32
      %dma_start3A_52 = tpu.memref_slice %arg8[%dma_start3A_44, %dma_start3A_51] : memref<2x128xi32, #tpu.memory_space<vmem>> -> memref<1x128xi32, #tpu.memory_space<vmem>>
      %dma_start3A_53 = tpu.memref_squeeze %dma_start3A_52 : memref<1x128xi32, #tpu.memory_space<vmem>> -> memref<128xi32, #tpu.memory_space<vmem>>
      %dma_start3A_54 = arith.constant 0 : i32
      %dma_start3A_55 = tpu.memref_slice %arg3[%add3A, %add3A_43, %dma_start3A_54] : memref<32x124x128xi32, #tpu.memory_space<hbm>> -> memref<1x1x128xi32, #tpu.memory_space<hbm>>
      %dma_start3A_56 = tpu.memref_squeeze %dma_start3A_55 : memref<1x1x128xi32, #tpu.memory_space<hbm>> -> memref<128xi32, #tpu.memory_space<hbm>>
      tpu.enqueue_dma source(%dma_start3A_56 : memref<128xi32, #tpu.memory_space<hbm>>) target(%dma_start3A_53 : memref<128xi32, #tpu.memory_space<vmem>>) target_semaphore(%arg12 : memref<!tpu.dma_semaphore, #tpu.memory_space<semaphore_mem>>)
      %dma_wait3A = arith.constant 0 : i32
      %dma_wait3A_57 = arith.constant 0 : i32
      %dma_wait3A_58 = tpu.memref_slice %arg8[%dma_wait3A, %dma_wait3A_57] : memref<2x128xi32, #tpu.memory_space<vmem>> -> memref<1x128xi32, #tpu.memory_space<vmem>>
      %dma_wait3A_59 = tpu.memref_squeeze %dma_wait3A_58 : memref<1x128xi32, #tpu.memory_space<vmem>> -> memref<128xi32, #tpu.memory_space<vmem>>
      %dma_wait3A_60 = arith.constant 0 : i32
      %dma_wait3A_61 = tpu.memref_slice %arg3[%add3A, %add3A_29, %dma_wait3A_60] : memref<32x124x128xi32, #tpu.memory_space<hbm>> -> memref<1x1x128xi32, #tpu.memory_space<hbm>>
      %dma_wait3A_62 = tpu.memref_squeeze %dma_wait3A_61 : memref<1x1x128xi32, #tpu.memory_space<hbm>> -> memref<128xi32, #tpu.memory_space<hbm>>
      %dma_wait3A_63 = arith.constant 0 : i32
      %dma_wait3A_64 = tpu.memref_slice %arg8[%dma_wait3A, %dma_wait3A_63] : memref<2x128xi32, #tpu.memory_space<vmem>> -> memref<1x128xi32, #tpu.memory_space<vmem>>
      %dma_wait3A_65 = tpu.memref_squeeze %dma_wait3A_64 : memref<1x128xi32, #tpu.memory_space<vmem>> -> memref<128xi32, #tpu.memory_space<vmem>>
      %dma_wait3A_66 = arith.constant 0 : i32
      %dma_wait3A_67 = tpu.memref_slice %arg3[%add3A, %add3A_29, %dma_wait3A_66] : memref<32x124x128xi32, #tpu.memory_space<hbm>> -> memref<1x1x128xi32, #tpu.memory_space<hbm>>
      %dma_wait3A_68 = tpu.memref_squeeze %dma_wait3A_67 : memref<1x1x128xi32, #tpu.memory_space<hbm>> -> memref<128xi32, #tpu.memory_space<hbm>>
      tpu.wait_dma2 semaphore(%arg11 : memref<!tpu.dma_semaphore, #tpu.memory_space<semaphore_mem>>) src(%dma_wait3A_68 : memref<128xi32, #tpu.memory_space<hbm>>) dst(%dma_wait3A_65 : memref<128xi32, #tpu.memory_space<vmem>>)
      %dma_start3A_69 = arith.constant 0 : i32
      %dma_start3A_70 = arith.constant 0 : i32
      %dma_start3A_71 = arith.constant 0 : i32
      %dma_start3A_72 = arith.constant 0 : i32
      %dma_start3A_73 = tpu.memref_slice %arg10[%dma_start3A_70, %dma_start3A_71, %dma_start3A_72] : memref<2x128x128xf32, #tpu.memory_space<vmem>> -> memref<1x128x128xf32, #tpu.memory_space<vmem>>
      %dma_start3A_74 = tpu.memref_squeeze %dma_start3A_73 : memref<1x128x128xf32, #tpu.memory_space<vmem>> -> memref<128x128xf32, #tpu.memory_space<vmem>>
      %dma_start3A_75 = arith.constant 0 : i32
      %dma_start3A_76 = tpu.memref_slice %arg8[%dma_start3A_69, %dma_start3A_75] : memref<2x128xi32, #tpu.memory_space<vmem>> -> memref<1x128xi32, #tpu.memory_space<vmem>>
      %dma_start3A_77 = tpu.memref_squeeze %dma_start3A_76 : memref<1x128xi32, #tpu.memory_space<vmem>> -> memref<128xi32, #tpu.memory_space<vmem>>
      %dma_start3A_78 = arith.constant 0 : i32
      %dma_start3A_79 = arith.constant 0 : i32
      %dma_start3A_80 = tpu.memref_slice %arg2[%dma_start3A_78, %dma_start3A_79] : memref<10000x128xf32, #tpu.memory_space<hbm>> -> memref<10000x128xf32, #tpu.memory_space<hbm>>
      tpu.enqueue_indirect_dma source(%dma_start3A_80 : memref<10000x128xf32, #tpu.memory_space<hbm>>) target(%dma_start3A_74 : memref<128x128xf32, #tpu.memory_space<vmem>>) offsets(%dma_start3A_77 : memref<128xi32, #tpu.memory_space<vmem>>) semaphore(%arg13 : memref<!tpu.dma_semaphore, #tpu.memory_space<semaphore_mem>>)
      %dma_wait3A_81 = arith.constant 1 : i32
      %dma_wait3A_82 = arith.constant 0 : i32
      %dma_wait3A_83 = tpu.memref_slice %arg8[%dma_wait3A_81, %dma_wait3A_82] : memref<2x128xi32, #tpu.memory_space<vmem>> -> memref<1x128xi32, #tpu.memory_space<vmem>>
      %dma_wait3A_84 = tpu.memref_squeeze %dma_wait3A_83 : memref<1x128xi32, #tpu.memory_space<vmem>> -> memref<128xi32, #tpu.memory_space<vmem>>
      %dma_wait3A_85 = arith.constant 0 : i32
      %dma_wait3A_86 = tpu.memref_slice %arg3[%add3A, %add3A_43, %dma_wait3A_85] : memref<32x124x128xi32, #tpu.memory_space<hbm>> -> memref<1x1x128xi32, #tpu.memory_space<hbm>>
      %dma_wait3A_87 = tpu.memref_squeeze %dma_wait3A_86 : memref<1x1x128xi32, #tpu.memory_space<hbm>> -> memref<128xi32, #tpu.memory_space<hbm>>
      %dma_wait3A_88 = arith.constant 0 : i32
      %dma_wait3A_89 = tpu.memref_slice %arg8[%dma_wait3A_81, %dma_wait3A_88] : memref<2x128xi32, #tpu.memory_space<vmem>> -> memref<1x128xi32, #tpu.memory_space<vmem>>
      %dma_wait3A_90 = tpu.memref_squeeze %dma_wait3A_89 : memref<1x128xi32, #tpu.memory_space<vmem>> -> memref<128xi32, #tpu.memory_space<vmem>>
      %dma_wait3A_91 = arith.constant 0 : i32
      %dma_wait3A_92 = tpu.memref_slice %arg3[%add3A, %add3A_43, %dma_wait3A_91] : memref<32x124x128xi32, #tpu.memory_space<hbm>> -> memref<1x1x128xi32, #tpu.memory_space<hbm>>
      %dma_wait3A_93 = tpu.memref_squeeze %dma_wait3A_92 : memref<1x1x128xi32, #tpu.memory_space<hbm>> -> memref<128xi32, #tpu.memory_space<hbm>>
      tpu.wait_dma2 semaphore(%arg12 : memref<!tpu.dma_semaphore, #tpu.memory_space<semaphore_mem>>) src(%dma_wait3A_93 : memref<128xi32, #tpu.memory_space<hbm>>) dst(%dma_wait3A_90 : memref<128xi32, #tpu.memory_space<vmem>>)
      %dma_start3A_94 = arith.constant 1 : i32
      %dma_start3A_95 = arith.constant 1 : i32
      %dma_start3A_96 = arith.constant 0 : i32
      %dma_start3A_97 = arith.constant 0 : i32
      %dma_start3A_98 = tpu.memref_slice %arg10[%dma_start3A_95, %dma_start3A_96, %dma_start3A_97] : memref<2x128x128xf32, #tpu.memory_space<vmem>> -> memref<1x128x128xf32, #tpu.memory_space<vmem>>
      %dma_start3A_99 = tpu.memref_squeeze %dma_start3A_98 : memref<1x128x128xf32, #tpu.memory_space<vmem>> -> memref<128x128xf32, #tpu.memory_space<vmem>>
      %dma_start3A_100 = arith.constant 0 : i32
      %dma_start3A_101 = tpu.memref_slice %arg8[%dma_start3A_94, %dma_start3A_100] : memref<2x128xi32, #tpu.memory_space<vmem>> -> memref<1x128xi32, #tpu.memory_space<vmem>>
      %dma_start3A_102 = tpu.memref_squeeze %dma_start3A_101 : memref<1x128xi32, #tpu.memory_space<vmem>> -> memref<128xi32, #tpu.memory_space<vmem>>
      %dma_start3A_103 = arith.constant 0 : i32
      %dma_start3A_104 = arith.constant 0 : i32
      %dma_start3A_105 = tpu.memref_slice %arg2[%dma_start3A_103, %dma_start3A_104] : memref<10000x128xf32, #tpu.memory_space<hbm>> -> memref<10000x128xf32, #tpu.memory_space<hbm>>
      tpu.enqueue_indirect_dma source(%dma_start3A_105 : memref<10000x128xf32, #tpu.memory_space<hbm>>) target(%dma_start3A_99 : memref<128x128xf32, #tpu.memory_space<vmem>>) offsets(%dma_start3A_102 : memref<128xi32, #tpu.memory_space<vmem>>) semaphore(%arg14 : memref<!tpu.dma_semaphore, #tpu.memory_space<semaphore_mem>>)
      %dma_wait3A_106 = arith.constant 0 : i32
      %dma_wait3A_107 = arith.constant 0 : i32
      %dma_wait3A_108 = arith.constant 0 : i32
      %dma_wait3A_109 = arith.constant 0 : i32
      %dma_wait3A_110 = tpu.memref_slice %arg10[%dma_wait3A_107, %dma_wait3A_108, %dma_wait3A_109] : memref<2x128x128xf32, #tpu.memory_space<vmem>> -> memref<1x128x128xf32, #tpu.memory_space<vmem>>
      %dma_wait3A_111 = tpu.memref_squeeze %dma_wait3A_110 : memref<1x128x128xf32, #tpu.memory_space<vmem>> -> memref<128x128xf32, #tpu.memory_space<vmem>>
      %dma_wait3A_112 = arith.constant 0 : i32
      %dma_wait3A_113 = tpu.memref_slice %arg8[%dma_wait3A_106, %dma_wait3A_112] : memref<2x128xi32, #tpu.memory_space<vmem>> -> memref<1x128xi32, #tpu.memory_space<vmem>>
      %dma_wait3A_114 = tpu.memref_squeeze %dma_wait3A_113 : memref<1x128xi32, #tpu.memory_space<vmem>> -> memref<128xi32, #tpu.memory_space<vmem>>
      %dma_wait3A_115 = arith.constant 0 : i32
      %dma_wait3A_116 = arith.constant 0 : i32
      %dma_wait3A_117 = tpu.memref_slice %arg2[%dma_wait3A_115, %dma_wait3A_116] : memref<10000x128xf32, #tpu.memory_space<hbm>> -> memref<10000x128xf32, #tpu.memory_space<hbm>>
      tpu.wait_indirect_dma semaphore(%arg13 : memref<!tpu.dma_semaphore, #tpu.memory_space<semaphore_mem>>) src(%dma_wait3A_117 : memref<10000x128xf32, #tpu.memory_space<hbm>>) dst(%dma_wait3A_111 : memref<128x128xf32, #tpu.memory_space<vmem>>)
      %add3A_118 = arith.constant 0 : i32
      %add3A_119 = arith.addi %mul3A_27, %add3A_118 : i32
      %run_scoped3A = arith.constant 0 : i32
      "tpu.region"() ({
        %run_scoped3A_135 = tpu.sem_alloc : memref<!tpu.dma_semaphore, #tpu.memory_space<semaphore_mem>>
        %dma_start3A_136 = arith.constant 0 : i32
        %dma_start3A_137 = arith.constant 0 : i32
        %dma_start3A_138 = tpu.memref_slice %arg10[%run_scoped3A, %dma_start3A_136, %dma_start3A_137] : memref<2x128x128xf32, #tpu.memory_space<vmem>> -> memref<1x128x128xf32, #tpu.memory_space<vmem>>
        %dma_start3A_139 = tpu.memref_squeeze %dma_start3A_138 : memref<1x128x128xf32, #tpu.memory_space<vmem>> -> memref<128x128xf32, #tpu.memory_space<vmem>>
        %dma_start3A_140 = arith.constant 0 : i32
        %dma_start3A_141 = tpu.memref_slice %arg9[%add3A_119, %dma_start3A_140] : memref<124x128xi32, #tpu.memory_space<vmem>> -> memref<1x128xi32, #tpu.memory_space<vmem>>
        %dma_start3A_142 = tpu.memref_squeeze %dma_start3A_141 : memref<1x128xi32, #tpu.memory_space<vmem>> -> memref<128xi32, #tpu.memory_space<vmem>>
        %dma_start3A_143 = arith.constant 0 : i32
        %dma_start3A_144 = arith.constant 0 : i32
        %dma_start3A_145 = tpu.memref_slice %arg7[%dma_start3A_143, %dma_start3A_144] : memref<10112x128xf32, #tpu.memory_space<vmem_shared>> -> memref<10112x128xf32, #tpu.memory_space<vmem_shared>>
        tpu.enqueue_indirect_dma source(%dma_start3A_139 : memref<128x128xf32, #tpu.memory_space<vmem>>) target(%dma_start3A_145 : memref<10112x128xf32, #tpu.memory_space<vmem_shared>>) offsets(%dma_start3A_142 : memref<128xi32, #tpu.memory_space<vmem>>) semaphore(%run_scoped3A_135 : memref<!tpu.dma_semaphore, #tpu.memory_space<semaphore_mem>>) {add = true}
        %dma_wait3A_146 = arith.constant 0 : i32
        %dma_wait3A_147 = arith.constant 0 : i32
        %dma_wait3A_148 = tpu.memref_slice %arg10[%run_scoped3A, %dma_wait3A_146, %dma_wait3A_147] : memref<2x128x128xf32, #tpu.memory_space<vmem>> -> memref<1x128x128xf32, #tpu.memory_space<vmem>>
        %dma_wait3A_149 = tpu.memref_squeeze %dma_wait3A_148 : memref<1x128x128xf32, #tpu.memory_space<vmem>> -> memref<128x128xf32, #tpu.memory_space<vmem>>
        %dma_wait3A_150 = arith.constant 0 : i32
        %dma_wait3A_151 = tpu.memref_slice %arg9[%add3A_119, %dma_wait3A_150] : memref<124x128xi32, #tpu.memory_space<vmem>> -> memref<1x128xi32, #tpu.memory_space<vmem>>
        %dma_wait3A_152 = tpu.memref_squeeze %dma_wait3A_151 : memref<1x128xi32, #tpu.memory_space<vmem>> -> memref<128xi32, #tpu.memory_space<vmem>>
        %dma_wait3A_153 = arith.constant 0 : i32
        %dma_wait3A_154 = arith.constant 0 : i32
        %dma_wait3A_155 = tpu.memref_slice %arg7[%dma_wait3A_153, %dma_wait3A_154] : memref<10112x128xf32, #tpu.memory_space<vmem_shared>> -> memref<10112x128xf32, #tpu.memory_space<vmem_shared>>
        tpu.wait_indirect_dma semaphore(%run_scoped3A_135 : memref<!tpu.dma_semaphore, #tpu.memory_space<semaphore_mem>>) src(%dma_wait3A_149 : memref<128x128xf32, #tpu.memory_space<vmem>>) dst(%dma_wait3A_155 : memref<10112x128xf32, #tpu.memory_space<vmem_shared>>)
        tpu.yield
      }) : () -> ()
      %dma_wait3A_120 = arith.constant 1 : i32
      %dma_wait3A_121 = arith.constant 1 : i32
      %dma_wait3A_122 = arith.constant 0 : i32
      %dma_wait3A_123 = arith.constant 0 : i32
      %dma_wait3A_124 = tpu.memref_slice %arg10[%dma_wait3A_121, %dma_wait3A_122, %dma_wait3A_123] : memref<2x128x128xf32, #tpu.memory_space<vmem>> -> memref<1x128x128xf32, #tpu.memory_space<vmem>>
      %dma_wait3A_125 = tpu.memref_squeeze %dma_wait3A_124 : memref<1x128x128xf32, #tpu.memory_space<vmem>> -> memref<128x128xf32, #tpu.memory_space<vmem>>
      %dma_wait3A_126 = arith.constant 0 : i32
      %dma_wait3A_127 = tpu.memref_slice %arg8[%dma_wait3A_120, %dma_wait3A_126] : memref<2x128xi32, #tpu.memory_space<vmem>> -> memref<1x128xi32, #tpu.memory_space<vmem>>
      %dma_wait3A_128 = tpu.memref_squeeze %dma_wait3A_127 : memref<1x128xi32, #tpu.memory_space<vmem>> -> memref<128xi32, #tpu.memory_space<vmem>>
      %dma_wait3A_129 = arith.constant 0 : i32
      %dma_wait3A_130 = arith.constant 0 : i32
      %dma_wait3A_131 = tpu.memref_slice %arg2[%dma_wait3A_129, %dma_wait3A_130] : memref<10000x128xf32, #tpu.memory_space<hbm>> -> memref<10000x128xf32, #tpu.memory_space<hbm>>
      tpu.wait_indirect_dma semaphore(%arg14 : memref<!tpu.dma_semaphore, #tpu.memory_space<semaphore_mem>>) src(%dma_wait3A_131 : memref<10000x128xf32, #tpu.memory_space<hbm>>) dst(%dma_wait3A_125 : memref<128x128xf32, #tpu.memory_space<vmem>>)
      %add3A_132 = arith.constant 1 : i32
      %add3A_133 = arith.addi %mul3A_27, %add3A_132 : i32
      %run_scoped3A_134 = arith.constant 1 : i32
      "tpu.region"() ({
        %run_scoped3A_135 = tpu.sem_alloc : memref<!tpu.dma_semaphore, #tpu.memory_space<semaphore_mem>>
        %dma_start3A_136 = arith.constant 0 : i32
        %dma_start3A_137 = arith.constant 0 : i32
        %dma_start3A_138 = tpu.memref_slice %arg10[%run_scoped3A_134, %dma_start3A_136, %dma_start3A_137] : memref<2x128x128xf32, #tpu.memory_space<vmem>> -> memref<1x128x128xf32, #tpu.memory_space<vmem>>
        %dma_start3A_139 = tpu.memref_squeeze %dma_start3A_138 : memref<1x128x128xf32, #tpu.memory_space<vmem>> -> memref<128x128xf32, #tpu.memory_space<vmem>>
        %dma_start3A_140 = arith.constant 0 : i32
        %dma_start3A_141 = tpu.memref_slice %arg9[%add3A_133, %dma_start3A_140] : memref<124x128xi32, #tpu.memory_space<vmem>> -> memref<1x128xi32, #tpu.memory_space<vmem>>
        %dma_start3A_142 = tpu.memref_squeeze %dma_start3A_141 : memref<1x128xi32, #tpu.memory_space<vmem>> -> memref<128xi32, #tpu.memory_space<vmem>>
        %dma_start3A_143 = arith.constant 0 : i32
        %dma_start3A_144 = arith.constant 0 : i32
        %dma_start3A_145 = tpu.memref_slice %arg7[%dma_start3A_143, %dma_start3A_144] : memref<10112x128xf32, #tpu.memory_space<vmem_shared>> -> memref<10112x128xf32, #tpu.memory_space<vmem_shared>>
        tpu.enqueue_indirect_dma source(%dma_start3A_139 : memref<128x128xf32, #tpu.memory_space<vmem>>) target(%dma_start3A_145 : memref<10112x128xf32, #tpu.memory_space<vmem_shared>>) offsets(%dma_start3A_142 : memref<128xi32, #tpu.memory_space<vmem>>) semaphore(%run_scoped3A_135 : memref<!tpu.dma_semaphore, #tpu.memory_space<semaphore_mem>>) {add = true}
        %dma_wait3A_146 = arith.constant 0 : i32
        %dma_wait3A_147 = arith.constant 0 : i32
        %dma_wait3A_148 = tpu.memref_slice %arg10[%run_scoped3A_134, %dma_wait3A_146, %dma_wait3A_147] : memref<2x128x128xf32, #tpu.memory_space<vmem>> -> memref<1x128x128xf32, #tpu.memory_space<vmem>>
        %dma_wait3A_149 = tpu.memref_squeeze %dma_wait3A_148 : memref<1x128x128xf32, #tpu.memory_space<vmem>> -> memref<128x128xf32, #tpu.memory_space<vmem>>
        %dma_wait3A_150 = arith.constant 0 : i32
        %dma_wait3A_151 = tpu.memref_slice %arg9[%add3A_133, %dma_wait3A_150] : memref<124x128xi32, #tpu.memory_space<vmem>> -> memref<1x128xi32, #tpu.memory_space<vmem>>
        %dma_wait3A_152 = tpu.memref_squeeze %dma_wait3A_151 : memref<1x128xi32, #tpu.memory_space<vmem>> -> memref<128xi32, #tpu.memory_space<vmem>>
        %dma_wait3A_153 = arith.constant 0 : i32
        %dma_wait3A_154 = arith.constant 0 : i32
        %dma_wait3A_155 = tpu.memref_slice %arg7[%dma_wait3A_153, %dma_wait3A_154] : memref<10112x128xf32, #tpu.memory_space<vmem_shared>> -> memref<10112x128xf32, #tpu.memory_space<vmem_shared>>
        tpu.wait_indirect_dma semaphore(%run_scoped3A_135 : memref<!tpu.dma_semaphore, #tpu.memory_space<semaphore_mem>>) src(%dma_wait3A_149 : memref<128x128xf32, #tpu.memory_space<vmem>>) dst(%dma_wait3A_155 : memref<10112x128xf32, #tpu.memory_space<vmem_shared>>)
        tpu.yield
      }) : () -> ()
    }
    %while3A_21 = arith.constant 1 : i32
    scf.for %while3A_23 = %while3A_19 to %while3A_15 step %while3A_21  : i32 {
      %mul3A_24 = arith.muli %while3A_23, %while3A : i32
      %add3A_25 = arith.addi %while3A_12, %mul3A_24 : i32
      %mul3A_26 = arith.constant 2 : i32
      %mul3A_27 = arith.muli %add3A_25, %mul3A_26 : i32
      %add3A_28 = arith.constant 0 : i32
      %add3A_29 = arith.addi %mul3A_27, %add3A_28 : i32
      %dma_start3A = arith.constant 0 : i32
      %dma_start3A_30 = arith.constant 0 : i32
      %dma_start3A_31 = tpu.memref_slice %arg8[%dma_start3A, %dma_start3A_30] : memref<2x128xi32, #tpu.memory_space<vmem>> -> memref<1x128xi32, #tpu.memory_space<vmem>>
      %dma_start3A_32 = tpu.memref_squeeze %dma_start3A_31 : memref<1x128xi32, #tpu.memory_space<vmem>> -> memref<128xi32, #tpu.memory_space<vmem>>
      %dma_start3A_33 = arith.constant 0 : i32
      %dma_start3A_34 = tpu.memref_slice %arg3[%add3A, %add3A_29, %dma_start3A_33] : memref<32x124x128xi32, #tpu.memory_space<hbm>> -> memref<1x1x128xi32, #tpu.memory_space<hbm>>
      %dma_start3A_35 = tpu.memref_squeeze %dma_start3A_34 : memref<1x1x128xi32, #tpu.memory_space<hbm>> -> memref<128xi32, #tpu.memory_space<hbm>>
      %dma_start3A_36 = arith.constant 0 : i32
      %dma_start3A_37 = tpu.memref_slice %arg8[%dma_start3A, %dma_start3A_36] : memref<2x128xi32, #tpu.memory_space<vmem>> -> memref<1x128xi32, #tpu.memory_space<vmem>>
      %dma_start3A_38 = tpu.memref_squeeze %dma_start3A_37 : memref<1x128xi32, #tpu.memory_space<vmem>> -> memref<128xi32, #tpu.memory_space<vmem>>
      %dma_start3A_39 = arith.constant 0 : i32
      %dma_start3A_40 = tpu.memref_slice %arg3[%add3A, %add3A_29, %dma_start3A_39] : memref<32x124x128xi32, #tpu.memory_space<hbm>> -> memref<1x1x128xi32, #tpu.memory_space<hbm>>
      %dma_start3A_41 = tpu.memref_squeeze %dma_start3A_40 : memref<1x1x128xi32, #tpu.memory_space<hbm>> -> memref<128xi32, #tpu.memory_space<hbm>>
      tpu.enqueue_dma source(%dma_start3A_41 : memref<128xi32, #tpu.memory_space<hbm>>) target(%dma_start3A_38 : memref<128xi32, #tpu.memory_space<vmem>>) target_semaphore(%arg11 : memref<!tpu.dma_semaphore, #tpu.memory_space<semaphore_mem>>)
      %add3A_42 = arith.constant 1 : i32
      %add3A_43 = arith.addi %mul3A_27, %add3A_42 : i32
      %dma_start3A_44 = arith.constant 1 : i32
      %dma_start3A_45 = arith.constant 0 : i32
      %dma_start3A_46 = tpu.memref_slice %arg8[%dma_start3A_44, %dma_start3A_45] : memref<2x128xi32, #tpu.memory_space<vmem>> -> memref<1x128xi32, #tpu.memory_space<vmem>>
      %dma_start3A_47 = tpu.memref_squeeze %dma_start3A_46 : memref<1x128xi32, #tpu.memory_space<vmem>> -> memref<128xi32, #tpu.memory_space<vmem>>
      %dma_start3A_48 = arith.constant 0 : i32
      %dma_start3A_49 = tpu.memref_slice %arg3[%add3A, %add3A_43, %dma_start3A_48] : memref<32x124x128xi32, #tpu.memory_space<hbm>> -> memref<1x1x128xi32, #tpu.memory_space<hbm>>
      %dma_start3A_50 = tpu.memref_squeeze %dma_start3A_49 : memref<1x1x128xi32, #tpu.memory_space<hbm>> -> memref<128xi32, #tpu.memory_space<hbm>>
      %dma_start3A_51 = arith.constant 0 : i32
      %dma_start3A_52 = tpu.memref_slice %arg8[%dma_start3A_44, %dma_start3A_51] : memref<2x128xi32, #tpu.memory_space<vmem>> -> memref<1x128xi32, #tpu.memory_space<vmem>>
      %dma_start3A_53 = tpu.memref_squeeze %dma_start3A_52 : memref<1x128xi32, #tpu.memory_space<vmem>> -> memref<128xi32, #tpu.memory_space<vmem>>
      %dma_start3A_54 = arith.constant 0 : i32
      %dma_start3A_55 = tpu.memref_slice %arg3[%add3A, %add3A_43, %dma_start3A_54] : memref<32x124x128xi32, #tpu.memory_space<hbm>> -> memref<1x1x128xi32, #tpu.memory_space<hbm>>
      %dma_start3A_56 = tpu.memref_squeeze %dma_start3A_55 : memref<1x1x128xi32, #tpu.memory_space<hbm>> -> memref<128xi32, #tpu.memory_space<hbm>>
      tpu.enqueue_dma source(%dma_start3A_56 : memref<128xi32, #tpu.memory_space<hbm>>) target(%dma_start3A_53 : memref<128xi32, #tpu.memory_space<vmem>>) target_semaphore(%arg12 : memref<!tpu.dma_semaphore, #tpu.memory_space<semaphore_mem>>)
      %dma_wait3A = arith.constant 0 : i32
      %dma_wait3A_57 = arith.constant 0 : i32
      %dma_wait3A_58 = tpu.memref_slice %arg8[%dma_wait3A, %dma_wait3A_57] : memref<2x128xi32, #tpu.memory_space<vmem>> -> memref<1x128xi32, #tpu.memory_space<vmem>>
      %dma_wait3A_59 = tpu.memref_squeeze %dma_wait3A_58 : memref<1x128xi32, #tpu.memory_space<vmem>> -> memref<128xi32, #tpu.memory_space<vmem>>
      %dma_wait3A_60 = arith.constant 0 : i32
      %dma_wait3A_61 = tpu.memref_slice %arg3[%add3A, %add3A_29, %dma_wait3A_60] : memref<32x124x128xi32, #tpu.memory_space<hbm>> -> memref<1x1x128xi32, #tpu.memory_space<hbm>>
      %dma_wait3A_62 = tpu.memref_squeeze %dma_wait3A_61 : memref<1x1x128xi32, #tpu.memory_space<hbm>> -> memref<128xi32, #tpu.memory_space<hbm>>
      %dma_wait3A_63 = arith.constant 0 : i32
      %dma_wait3A_64 = tpu.memref_slice %arg8[%dma_wait3A, %dma_wait3A_63] : memref<2x128xi32, #tpu.memory_space<vmem>> -> memref<1x128xi32, #tpu.memory_space<vmem>>
      %dma_wait3A_65 = tpu.memref_squeeze %dma_wait3A_64 : memref<1x128xi32, #tpu.memory_space<vmem>> -> memref<128xi32, #tpu.memory_space<vmem>>
      %dma_wait3A_66 = arith.constant 0 : i32
      %dma_wait3A_67 = tpu.memref_slice %arg3[%add3A, %add3A_29, %dma_wait3A_66] : memref<32x124x128xi32, #tpu.memory_space<hbm>> -> memref<1x1x128xi32, #tpu.memory_space<hbm>>
      %dma_wait3A_68 = tpu.memref_squeeze %dma_wait3A_67 : memref<1x1x128xi32, #tpu.memory_space<hbm>> -> memref<128xi32, #tpu.memory_space<hbm>>
      tpu.wait_dma2 semaphore(%arg11 : memref<!tpu.dma_semaphore, #tpu.memory_space<semaphore_mem>>) src(%dma_wait3A_68 : memref<128xi32, #tpu.memory_space<hbm>>) dst(%dma_wait3A_65 : memref<128xi32, #tpu.memory_space<vmem>>)
      %dma_start3A_69 = arith.constant 0 : i32
      %dma_start3A_70 = arith.constant 0 : i32
      %dma_start3A_71 = arith.constant 0 : i32
      %dma_start3A_72 = arith.constant 0 : i32
      %dma_start3A_73 = tpu.memref_slice %arg10[%dma_start3A_70, %dma_start3A_71, %dma_start3A_72] : memref<2x128x128xf32, #tpu.memory_space<vmem>> -> memref<1x128x128xf32, #tpu.memory_space<vmem>>
      %dma_start3A_74 = tpu.memref_squeeze %dma_start3A_73 : memref<1x128x128xf32, #tpu.memory_space<vmem>> -> memref<128x128xf32, #tpu.memory_space<vmem>>
      %dma_start3A_75 = arith.constant 0 : i32
      %dma_start3A_76 = tpu.memref_slice %arg8[%dma_start3A_69, %dma_start3A_75] : memref<2x128xi32, #tpu.memory_space<vmem>> -> memref<1x128xi32, #tpu.memory_space<vmem>>
      %dma_start3A_77 = tpu.memref_squeeze %dma_start3A_76 : memref<1x128xi32, #tpu.memory_space<vmem>> -> memref<128xi32, #tpu.memory_space<vmem>>
      %dma_start3A_78 = arith.constant 0 : i32
      %dma_start3A_79 = arith.constant 0 : i32
      %dma_start3A_80 = tpu.memref_slice %arg2[%dma_start3A_78, %dma_start3A_79] : memref<10000x128xf32, #tpu.memory_space<hbm>> -> memref<10000x128xf32, #tpu.memory_space<hbm>>
      tpu.enqueue_indirect_dma source(%dma_start3A_80 : memref<10000x128xf32, #tpu.memory_space<hbm>>) target(%dma_start3A_74 : memref<128x128xf32, #tpu.memory_space<vmem>>) offsets(%dma_start3A_77 : memref<128xi32, #tpu.memory_space<vmem>>) semaphore(%arg13 : memref<!tpu.dma_semaphore, #tpu.memory_space<semaphore_mem>>)
      %dma_wait3A_81 = arith.constant 1 : i32
      %dma_wait3A_82 = arith.constant 0 : i32
      %dma_wait3A_83 = tpu.memref_slice %arg8[%dma_wait3A_81, %dma_wait3A_82] : memref<2x128xi32, #tpu.memory_space<vmem>> -> memref<1x128xi32, #tpu.memory_space<vmem>>
      %dma_wait3A_84 = tpu.memref_squeeze %dma_wait3A_83 : memref<1x128xi32, #tpu.memory_space<vmem>> -> memref<128xi32, #tpu.memory_space<vmem>>
      %dma_wait3A_85 = arith.constant 0 : i32
      %dma_wait3A_86 = tpu.memref_slice %arg3[%add3A, %add3A_43, %dma_wait3A_85] : memref<32x124x128xi32, #tpu.memory_space<hbm>> -> memref<1x1x128xi32, #tpu.memory_space<hbm>>
      %dma_wait3A_87 = tpu.memref_squeeze %dma_wait3A_86 : memref<1x1x128xi32, #tpu.memory_space<hbm>> -> memref<128xi32, #tpu.memory_space<hbm>>
      %dma_wait3A_88 = arith.constant 0 : i32
      %dma_wait3A_89 = tpu.memref_slice %arg8[%dma_wait3A_81, %dma_wait3A_88] : memref<2x128xi32, #tpu.memory_space<vmem>> -> memref<1x128xi32, #tpu.memory_space<vmem>>
      %dma_wait3A_90 = tpu.memref_squeeze %dma_wait3A_89 : memref<1x128xi32, #tpu.memory_space<vmem>> -> memref<128xi32, #tpu.memory_space<vmem>>
      %dma_wait3A_91 = arith.constant 0 : i32
      %dma_wait3A_92 = tpu.memref_slice %arg3[%add3A, %add3A_43, %dma_wait3A_91] : memref<32x124x128xi32, #tpu.memory_space<hbm>> -> memref<1x1x128xi32, #tpu.memory_space<hbm>>
      %dma_wait3A_93 = tpu.memref_squeeze %dma_wait3A_92 : memref<1x1x128xi32, #tpu.memory_space<hbm>> -> memref<128xi32, #tpu.memory_space<hbm>>
      tpu.wait_dma2 semaphore(%arg12 : memref<!tpu.dma_semaphore, #tpu.memory_space<semaphore_mem>>) src(%dma_wait3A_93 : memref<128xi32, #tpu.memory_space<hbm>>) dst(%dma_wait3A_90 : memref<128xi32, #tpu.memory_space<vmem>>)
      %dma_start3A_94 = arith.constant 1 : i32
      %dma_start3A_95 = arith.constant 1 : i32
      %dma_start3A_96 = arith.constant 0 : i32
      %dma_start3A_97 = arith.constant 0 : i32
      %dma_start3A_98 = tpu.memref_slice %arg10[%dma_start3A_95, %dma_start3A_96, %dma_start3A_97] : memref<2x128x128xf32, #tpu.memory_space<vmem>> -> memref<1x128x128xf32, #tpu.memory_space<vmem>>
      %dma_start3A_99 = tpu.memref_squeeze %dma_start3A_98 : memref<1x128x128xf32, #tpu.memory_space<vmem>> -> memref<128x128xf32, #tpu.memory_space<vmem>>
      %dma_start3A_100 = arith.constant 0 : i32
      %dma_start3A_101 = tpu.memref_slice %arg8[%dma_start3A_94, %dma_start3A_100] : memref<2x128xi32, #tpu.memory_space<vmem>> -> memref<1x128xi32, #tpu.memory_space<vmem>>
      %dma_start3A_102 = tpu.memref_squeeze %dma_start3A_101 : memref<1x128xi32, #tpu.memory_space<vmem>> -> memref<128xi32, #tpu.memory_space<vmem>>
      %dma_start3A_103 = arith.constant 0 : i32
      %dma_start3A_104 = arith.constant 0 : i32
      %dma_start3A_105 = tpu.memref_slice %arg2[%dma_start3A_103, %dma_start3A_104] : memref<10000x128xf32, #tpu.memory_space<hbm>> -> memref<10000x128xf32, #tpu.memory_space<hbm>>
      tpu.enqueue_indirect_dma source(%dma_start3A_105 : memref<10000x128xf32, #tpu.memory_space<hbm>>) target(%dma_start3A_99 : memref<128x128xf32, #tpu.memory_space<vmem>>) offsets(%dma_start3A_102 : memref<128xi32, #tpu.memory_space<vmem>>) semaphore(%arg14 : memref<!tpu.dma_semaphore, #tpu.memory_space<semaphore_mem>>)
      %dma_wait3A_106 = arith.constant 0 : i32
      %dma_wait3A_107 = arith.constant 0 : i32
      %dma_wait3A_108 = arith.constant 0 : i32
      %dma_wait3A_109 = arith.constant 0 : i32
      %dma_wait3A_110 = tpu.memref_slice %arg10[%dma_wait3A_107, %dma_wait3A_108, %dma_wait3A_109] : memref<2x128x128xf32, #tpu.memory_space<vmem>> -> memref<1x128x128xf32, #tpu.memory_space<vmem>>
      %dma_wait3A_111 = tpu.memref_squeeze %dma_wait3A_110 : memref<1x128x128xf32, #tpu.memory_space<vmem>> -> memref<128x128xf32, #tpu.memory_space<vmem>>
      %dma_wait3A_112 = arith.constant 0 : i32
      %dma_wait3A_113 = tpu.memref_slice %arg8[%dma_wait3A_106, %dma_wait3A_112] : memref<2x128xi32, #tpu.memory_space<vmem>> -> memref<1x128xi32, #tpu.memory_space<vmem>>
      %dma_wait3A_114 = tpu.memref_squeeze %dma_wait3A_113 : memref<1x128xi32, #tpu.memory_space<vmem>> -> memref<128xi32, #tpu.memory_space<vmem>>
      %dma_wait3A_115 = arith.constant 0 : i32
      %dma_wait3A_116 = arith.constant 0 : i32
      %dma_wait3A_117 = tpu.memref_slice %arg2[%dma_wait3A_115, %dma_wait3A_116] : memref<10000x128xf32, #tpu.memory_space<hbm>> -> memref<10000x128xf32, #tpu.memory_space<hbm>>
      tpu.wait_indirect_dma semaphore(%arg13 : memref<!tpu.dma_semaphore, #tpu.memory_space<semaphore_mem>>) src(%dma_wait3A_117 : memref<10000x128xf32, #tpu.memory_space<hbm>>) dst(%dma_wait3A_111 : memref<128x128xf32, #tpu.memory_space<vmem>>)
      %add3A_118 = arith.constant 0 : i32
      %add3A_119 = arith.addi %mul3A_27, %add3A_118 : i32
      %run_scoped3A = arith.constant 0 : i32
      "tpu.region"() ({
        %run_scoped3A_135 = tpu.sem_alloc : memref<!tpu.dma_semaphore, #tpu.memory_space<semaphore_mem>>
        %dma_start3A_136 = arith.constant 0 : i32
        %dma_start3A_137 = arith.constant 0 : i32
        %dma_start3A_138 = tpu.memref_slice %arg10[%run_scoped3A, %dma_start3A_136, %dma_start3A_137] : memref<2x128x128xf32, #tpu.memory_space<vmem>> -> memref<1x128x128xf32, #tpu.memory_space<vmem>>
        %dma_start3A_139 = tpu.memref_squeeze %dma_start3A_138 : memref<1x128x128xf32, #tpu.memory_space<vmem>> -> memref<128x128xf32, #tpu.memory_space<vmem>>
        %dma_start3A_140 = arith.constant 0 : i32
        %dma_start3A_141 = tpu.memref_slice %arg9[%add3A_119, %dma_start3A_140] : memref<124x128xi32, #tpu.memory_space<vmem>> -> memref<1x128xi32, #tpu.memory_space<vmem>>
        %dma_start3A_142 = tpu.memref_squeeze %dma_start3A_141 : memref<1x128xi32, #tpu.memory_space<vmem>> -> memref<128xi32, #tpu.memory_space<vmem>>
        %dma_start3A_143 = arith.constant 0 : i32
        %dma_start3A_144 = arith.constant 0 : i32
        %dma_start3A_145 = tpu.memref_slice %arg7[%dma_start3A_143, %dma_start3A_144] : memref<10112x128xf32, #tpu.memory_space<vmem_shared>> -> memref<10112x128xf32, #tpu.memory_space<vmem_shared>>
        tpu.enqueue_indirect_dma source(%dma_start3A_139 : memref<128x128xf32, #tpu.memory_space<vmem>>) target(%dma_start3A_145 : memref<10112x128xf32, #tpu.memory_space<vmem_shared>>) offsets(%dma_start3A_142 : memref<128xi32, #tpu.memory_space<vmem>>) semaphore(%run_scoped3A_135 : memref<!tpu.dma_semaphore, #tpu.memory_space<semaphore_mem>>) {add = true}
        %dma_wait3A_146 = arith.constant 0 : i32
        %dma_wait3A_147 = arith.constant 0 : i32
        %dma_wait3A_148 = tpu.memref_slice %arg10[%run_scoped3A, %dma_wait3A_146, %dma_wait3A_147] : memref<2x128x128xf32, #tpu.memory_space<vmem>> -> memref<1x128x128xf32, #tpu.memory_space<vmem>>
        %dma_wait3A_149 = tpu.memref_squeeze %dma_wait3A_148 : memref<1x128x128xf32, #tpu.memory_space<vmem>> -> memref<128x128xf32, #tpu.memory_space<vmem>>
        %dma_wait3A_150 = arith.constant 0 : i32
        %dma_wait3A_151 = tpu.memref_slice %arg9[%add3A_119, %dma_wait3A_150] : memref<124x128xi32, #tpu.memory_space<vmem>> -> memref<1x128xi32, #tpu.memory_space<vmem>>
        %dma_wait3A_152 = tpu.memref_squeeze %dma_wait3A_151 : memref<1x128xi32, #tpu.memory_space<vmem>> -> memref<128xi32, #tpu.memory_space<vmem>>
        %dma_wait3A_153 = arith.constant 0 : i32
        %dma_wait3A_154 = arith.constant 0 : i32
        %dma_wait3A_155 = tpu.memref_slice %arg7[%dma_wait3A_153, %dma_wait3A_154] : memref<10112x128xf32, #tpu.memory_space<vmem_shared>> -> memref<10112x128xf32, #tpu.memory_space<vmem_shared>>
        tpu.wait_indirect_dma semaphore(%run_scoped3A_135 : memref<!tpu.dma_semaphore, #tpu.memory_space<semaphore_mem>>) src(%dma_wait3A_149 : memref<128x128xf32, #tpu.memory_space<vmem>>) dst(%dma_wait3A_155 : memref<10112x128xf32, #tpu.memory_space<vmem_shared>>)
        tpu.yield
      }) : () -> ()
      %dma_wait3A_120 = arith.constant 1 : i32
      %dma_wait3A_121 = arith.constant 1 : i32
      %dma_wait3A_122 = arith.constant 0 : i32
      %dma_wait3A_123 = arith.constant 0 : i32
      %dma_wait3A_124 = tpu.memref_slice %arg10[%dma_wait3A_121, %dma_wait3A_122, %dma_wait3A_123] : memref<2x128x128xf32, #tpu.memory_space<vmem>> -> memref<1x128x128xf32, #tpu.memory_space<vmem>>
      %dma_wait3A_125 = tpu.memref_squeeze %dma_wait3A_124 : memref<1x128x128xf32, #tpu.memory_space<vmem>> -> memref<128x128xf32, #tpu.memory_space<vmem>>
      %dma_wait3A_126 = arith.constant 0 : i32
      %dma_wait3A_127 = tpu.memref_slice %arg8[%dma_wait3A_120, %dma_wait3A_126] : memref<2x128xi32, #tpu.memory_space<vmem>> -> memref<1x128xi32, #tpu.memory_space<vmem>>
      %dma_wait3A_128 = tpu.memref_squeeze %dma_wait3A_127 : memref<1x128xi32, #tpu.memory_space<vmem>> -> memref<128xi32, #tpu.memory_space<vmem>>
      %dma_wait3A_129 = arith.constant 0 : i32
      %dma_wait3A_130 = arith.constant 0 : i32
      %dma_wait3A_131 = tpu.memref_slice %arg2[%dma_wait3A_129, %dma_wait3A_130] : memref<10000x128xf32, #tpu.memory_space<hbm>> -> memref<10000x128xf32, #tpu.memory_space<hbm>>
      tpu.wait_indirect_dma semaphore(%arg14 : memref<!tpu.dma_semaphore, #tpu.memory_space<semaphore_mem>>) src(%dma_wait3A_131 : memref<10000x128xf32, #tpu.memory_space<hbm>>) dst(%dma_wait3A_125 : memref<128x128xf32, #tpu.memory_space<vmem>>)
      %add3A_132 = arith.constant 1 : i32
      %add3A_133 = arith.addi %mul3A_27, %add3A_132 : i32
      %run_scoped3A_134 = arith.constant 1 : i32
      "tpu.region"() ({
        %run_scoped3A_135 = tpu.sem_alloc : memref<!tpu.dma_semaphore, #tpu.memory_space<semaphore_mem>>
        %dma_start3A_136 = arith.constant 0 : i32
        %dma_start3A_137 = arith.constant 0 : i32
        %dma_start3A_138 = tpu.memref_slice %arg10[%run_scoped3A_134, %dma_start3A_136, %dma_start3A_137] : memref<2x128x128xf32, #tpu.memory_space<vmem>> -> memref<1x128x128xf32, #tpu.memory_space<vmem>>
        %dma_start3A_139 = tpu.memref_squeeze %dma_start3A_138 : memref<1x128x128xf32, #tpu.memory_space<vmem>> -> memref<128x128xf32, #tpu.memory_space<vmem>>
        %dma_start3A_140 = arith.constant 0 : i32
        %dma_start3A_141 = tpu.memref_slice %arg9[%add3A_133, %dma_start3A_140] : memref<124x128xi32, #tpu.memory_space<vmem>> -> memref<1x128xi32, #tpu.memory_space<vmem>>
        %dma_start3A_142 = tpu.memref_squeeze %dma_start3A_141 : memref<1x128xi32, #tpu.memory_space<vmem>> -> memref<128xi32, #tpu.memory_space<vmem>>
        %dma_start3A_143 = arith.constant 0 : i32
        %dma_start3A_144 = arith.constant 0 : i32
        %dma_start3A_145 = tpu.memref_slice %arg7[%dma_start3A_143, %dma_start3A_144] : memref<10112x128xf32, #tpu.memory_space<vmem_shared>> -> memref<10112x128xf32, #tpu.memory_space<vmem_shared>>
        tpu.enqueue_indirect_dma source(%dma_start3A_139 : memref<128x128xf32, #tpu.memory_space<vmem>>) target(%dma_start3A_145 : memref<10112x128xf32, #tpu.memory_space<vmem_shared>>) offsets(%dma_start3A_142 : memref<128xi32, #tpu.memory_space<vmem>>) semaphore(%run_scoped3A_135 : memref<!tpu.dma_semaphore, #tpu.memory_space<semaphore_mem>>) {add = true}
        %dma_wait3A_146 = arith.constant 0 : i32
        %dma_wait3A_147 = arith.constant 0 : i32
        %dma_wait3A_148 = tpu.memref_slice %arg10[%run_scoped3A_134, %dma_wait3A_146, %dma_wait3A_147] : memref<2x128x128xf32, #tpu.memory_space<vmem>> -> memref<1x128x128xf32, #tpu.memory_space<vmem>>
        %dma_wait3A_149 = tpu.memref_squeeze %dma_wait3A_148 : memref<1x128x128xf32, #tpu.memory_space<vmem>> -> memref<128x128xf32, #tpu.memory_space<vmem>>
        %dma_wait3A_150 = arith.constant 0 : i32
        %dma_wait3A_151 = tpu.memref_slice %arg9[%add3A_133, %dma_wait3A_150] : memref<124x128xi32, #tpu.memory_space<vmem>> -> memref<1x128xi32, #tpu.memory_space<vmem>>
        %dma_wait3A_152 = tpu.memref_squeeze %dma_wait3A_151 : memref<1x128xi32, #tpu.memory_space<vmem>> -> memref<128xi32, #tpu.memory_space<vmem>>
        %dma_wait3A_153 = arith.constant 0 : i32
        %dma_wait3A_154 = arith.constant 0 : i32
        %dma_wait3A_155 = tpu.memref_slice %arg7[%dma_wait3A_153, %dma_wait3A_154] : memref<10112x128xf32, #tpu.memory_space<vmem_shared>> -> memref<10112x128xf32, #tpu.memory_space<vmem_shared>>
        tpu.wait_indirect_dma semaphore(%run_scoped3A_135 : memref<!tpu.dma_semaphore, #tpu.memory_space<semaphore_mem>>) src(%dma_wait3A_149 : memref<128x128xf32, #tpu.memory_space<vmem>>) dst(%dma_wait3A_155 : memref<10112x128xf32, #tpu.memory_space<vmem_shared>>)
        tpu.yield
      }) : () -> ()
    }
    %barrier3A_22 = arith.constant 0 : index
    tpu.barrier barrier_id(%barrier3A_22)
    "tpu.region"() ({
      %run_scoped3A = tpu.sem_alloc : memref<!tpu.dma_semaphore, #tpu.memory_space<semaphore_mem>>
      %dma_start3A = arith.constant 0 : i32
      %dma_start3A_23 = tpu.memref_slice %arg6[%arg0, %mul3A_2, %dma_start3A] : memref<2x10112x128xf32, #tpu.memory_space<hbm>> -> memref<1x632x128xf32, #tpu.memory_space<hbm>>
      %dma_start3A_24 = tpu.memref_squeeze %dma_start3A_23 : memref<1x632x128xf32, #tpu.memory_space<hbm>> -> memref<632x128xf32, #tpu.memory_space<hbm>>
      %dma_start3A_25 = arith.constant 0 : i32
      %dma_start3A_26 = tpu.memref_slice %arg7[%mul3A_2, %dma_start3A_25] : memref<10112x128xf32, #tpu.memory_space<vmem_shared>> -> memref<632x128xf32, #tpu.memory_space<vmem_shared>>
      tpu.enqueue_dma source(%dma_start3A_26 : memref<632x128xf32, #tpu.memory_space<vmem_shared>>) target(%dma_start3A_24 : memref<632x128xf32, #tpu.memory_space<hbm>>) target_semaphore(%run_scoped3A : memref<!tpu.dma_semaphore, #tpu.memory_space<semaphore_mem>>)
      %dma_wait3A = arith.constant 0 : i32
      %dma_wait3A_27 = tpu.memref_slice %arg6[%arg0, %mul3A_2, %dma_wait3A] : memref<2x10112x128xf32, #tpu.memory_space<hbm>> -> memref<1x632x128xf32, #tpu.memory_space<hbm>>
      %dma_wait3A_28 = tpu.memref_squeeze %dma_wait3A_27 : memref<1x632x128xf32, #tpu.memory_space<hbm>> -> memref<632x128xf32, #tpu.memory_space<hbm>>
      %dma_wait3A_29 = arith.constant 0 : i32
      %dma_wait3A_30 = tpu.memref_slice %arg7[%mul3A_2, %dma_wait3A_29] : memref<10112x128xf32, #tpu.memory_space<vmem_shared>> -> memref<632x128xf32, #tpu.memory_space<vmem_shared>>
      tpu.wait_dma2 semaphore(%run_scoped3A : memref<!tpu.dma_semaphore, #tpu.memory_space<semaphore_mem>>) src(%dma_wait3A_30 : memref<632x128xf32, #tpu.memory_space<vmem_shared>>) dst(%dma_wait3A_28 : memref<632x128xf32, #tpu.memory_space<hbm>>)
      tpu.yield
    }) : () -> ()
    return
  }
}

module attributes {stable_mosaic.version = 14 : i64} {
  func.func @_tc_matmul_body(%arg0: i32, %arg1: memref<400x128xf32, #tpu.memory_space<vmem>>, %arg2: memref<128x128xf32, #tpu.memory_space<vmem>>, %arg3: memref<400x128xf32, #tpu.memory_space<vmem>>) attributes {dimension_semantics = [#tpu.dimension_semantics<arbitrary>], iteration_bounds = array<i64: 25>, scalar_prefetch = 0 : i64, scratch_operands = 0 : i64, tpu.core_type = #tpu.core_type<tc>, window_params = [{transform_indices = @transform_0, window_bounds = array<i64: 400, 128>}, {pipeline_mode = #tpu.pipeline_mode<synchronous>, transform_indices = @transform_1, window_bounds = array<i64: 128, 128>}, {transform_indices = @transform_2, window_bounds = array<i64: 400, 128>}]} {
    %get3A = arith.constant 0 : index
    %get3A_0 = arith.constant 0 : index
    %get3A_1 = vector.load %arg1[%get3A, %get3A_0] : memref<400x128xf32, #tpu.memory_space<vmem>>, vector<400x128xf32>
    %get3A_2 = arith.constant 0 : index
    %get3A_3 = arith.constant 0 : index
    %get3A_4 = vector.load %arg2[%get3A_2, %get3A_3] : memref<128x128xf32, #tpu.memory_space<vmem>>, vector<128x128xf32>
    %dot_general3A = arith.constant dense<0.000000e+00> : vector<400x128xf32>
    %dot_general3A_5 = tpu.matmul %get3A_1, %get3A_4, %dot_general3A {dimension_numbers = #tpu.dot_dimension_numbers<[1], [0], [0], [1], [0, 0, 1, 1], [], []>, transpose_lhs_hint = false} : vector<400x128xf32>, vector<128x128xf32>, vector<400x128xf32> -> vector<400x128xf32>
    %swap3A = arith.constant 0 : index
    %swap3A_6 = arith.constant 0 : index
    %swap3A_7 = vector.load %arg3[%swap3A, %swap3A_6] : memref<400x128xf32, #tpu.memory_space<vmem>>, vector<400x128xf32>
    tpu.vector_store %arg3[%swap3A, %swap3A_6], %dot_general3A_5 {strides = array<i32>} : memref<400x128xf32, #tpu.memory_space<vmem>>, vector<400x128xf32>,
    return
  }
  func.func @transform_0(%arg0: i32) -> (i32, i32) {
    %c0_i32 = arith.constant 0 : i32
    %c0_i32_0 = arith.constant 0 : i32
    return %arg0, %c0_i32 : i32, i32
  }
  func.func @transform_1(%arg0: i32) -> (i32, i32) {
    %c0_i32 = arith.constant 0 : i32
    %c0_i32_0 = arith.constant 0 : i32
    %c0_i32_1 = arith.constant 0 : i32
    return %c0_i32, %c0_i32_0 : i32, i32
  }
  func.func @transform_2(%arg0: i32) -> (i32, i32) {
    %c0_i32 = arith.constant 0 : i32
    %c0_i32_0 = arith.constant 0 : i32
    return %arg0, %c0_i32 : i32, i32
  }
}

module attributes {stable_mosaic.version = 14 : i64} {
  func.func @_tc_norm_body(%arg0: i32, %arg1: memref<2x400x128xf32, #tpu.memory_space<vmem>>, %arg2: memref<400x128xf32, #tpu.memory_space<vmem>>, %arg3: memref<400x1xf32, #tpu.memory_space<vmem>>, %arg4: memref<400x128xf32, #tpu.memory_space<vmem>>) attributes {dimension_semantics = [#tpu.dimension_semantics<arbitrary>], iteration_bounds = array<i64: 25>, scalar_prefetch = 0 : i64, scratch_operands = 0 : i64, tpu.core_type = #tpu.core_type<tc>, window_params = [{transform_indices = @transform_0, window_bounds = array<i64: 2, 400, 128>}, {transform_indices = @transform_1, window_bounds = array<i64: 400, 128>}, {transform_indices = @transform_2, window_bounds = array<i64: 400, 1>}, {transform_indices = @transform_3, window_bounds = array<i64: 400, 128>}]} {
    %get3A = arith.constant 0 : index
    %get3A_0 = arith.constant 0 : index
    %get3A_1 = arith.constant 0 : index
    %get3A_2 = vector.load %arg1[%get3A, %get3A_0, %get3A_1] : memref<2x400x128xf32, #tpu.memory_space<vmem>>, vector<1x400x1xf32>
    %get3A_3 = vector.shape_cast %get3A_2 : vector<1x400x1xf32> to vector<400xf32>
    %get3A_4 = arith.constant 1 : index
    %get3A_5 = arith.constant 0 : index
    %get3A_6 = arith.constant 0 : index
    %get3A_7 = vector.load %arg1[%get3A_4, %get3A_5, %get3A_6] : memref<2x400x128xf32, #tpu.memory_space<vmem>>, vector<1x400x1xf32>
    %get3A_8 = vector.shape_cast %get3A_7 : vector<1x400x1xf32> to vector<400xf32>
    %add3A = arith.addf %get3A_3, %get3A_8 : vector<400xf32>
    %add3A_9 = arith.constant 1.000000e+00 : f32
    %add3A_10 = vector.broadcast %add3A_9 : f32 to vector<400xf32>
    %add3A_11 = arith.addf %add3A, %add3A_10 : vector<400xf32>
    %rsqrt3A = math.rsqrt %add3A_11 : vector<400xf32>
    %broadcast_in_dim3A = vector.shape_cast %rsqrt3A : vector<400xf32> to vector<400x1xf32>
    %swap3A = arith.constant 0 : index
    %swap3A_12 = arith.constant 0 : index
    %swap3A_13 = vector.load %arg3[%swap3A, %swap3A_12] : memref<400x1xf32, #tpu.memory_space<vmem>>, vector<400x1xf32>
    tpu.vector_store %arg3[%swap3A, %swap3A_12], %broadcast_in_dim3A {strides = array<i32>} : memref<400x1xf32, #tpu.memory_space<vmem>>, vector<400x1xf32>,
    %get3A_14 = arith.constant 0 : index
    %get3A_15 = arith.constant 0 : index
    %get3A_16 = vector.load %arg2[%get3A_14, %get3A_15] : memref<400x128xf32, #tpu.memory_space<vmem>>, vector<400x128xf32>
    %broadcast_in_dim3A_17 = vector.shape_cast %rsqrt3A : vector<400xf32> to vector<400x1xf32>
    %mul3A = vector.broadcast %broadcast_in_dim3A_17 : vector<400x1xf32> to vector<400x128xf32>
    %mul3A_18 = arith.mulf %get3A_16, %mul3A : vector<400x128xf32>
    %swap3A_19 = arith.constant 0 : index
    %swap3A_20 = arith.constant 0 : index
    %swap3A_21 = vector.load %arg4[%swap3A_19, %swap3A_20] : memref<400x128xf32, #tpu.memory_space<vmem>>, vector<400x128xf32>
    tpu.vector_store %arg4[%swap3A_19, %swap3A_20], %mul3A_18 {strides = array<i32>} : memref<400x128xf32, #tpu.memory_space<vmem>>, vector<400x128xf32>,
    return
  }
  func.func @transform_0(%arg0: i32) -> (i32, i32, i32) {
    %c0_i32 = arith.constant 0 : i32
    %c0_i32_0 = arith.constant 0 : i32
    %c0_i32_1 = arith.constant 0 : i32
    return %c0_i32, %arg0, %c0_i32_0 : i32, i32, i32
  }
  func.func @transform_1(%arg0: i32) -> (i32, i32) {
    %c0_i32 = arith.constant 0 : i32
    %c0_i32_0 = arith.constant 0 : i32
    return %arg0, %c0_i32 : i32, i32
  }
  func.func @transform_2(%arg0: i32) -> (i32, i32) {
    %c0_i32 = arith.constant 0 : i32
    %c0_i32_0 = arith.constant 0 : i32
    return %arg0, %c0_i32 : i32, i32
  }
  func.func @transform_3(%arg0: i32) -> (i32, i32) {
    %c0_i32 = arith.constant 0 : i32
    %c0_i32_0 = arith.constant 0 : i32
    return %arg0, %c0_i32 : i32, i32
  }
}

module attributes {stable_mosaic.version = 14 : i64} {
  func.func @_tc_mid_body(%arg0: i32, %arg1: memref<2x400x128xf32, #tpu.memory_space<vmem>>, %arg2: memref<400x128xf32, #tpu.memory_space<vmem>>, %arg3: memref<400x1xf32, #tpu.memory_space<vmem>>, %arg4: memref<128x128xf32, #tpu.memory_space<vmem>>, %arg5: memref<1x128xf32, #tpu.memory_space<vmem>>, %arg6: memref<400x128xf32, #tpu.memory_space<vmem>>) attributes {dimension_semantics = [#tpu.dimension_semantics<arbitrary>], iteration_bounds = array<i64: 25>, scalar_prefetch = 0 : i64, scratch_operands = 0 : i64, tpu.core_type = #tpu.core_type<tc>, window_params = [{transform_indices = @transform_0, window_bounds = array<i64: 2, 400, 128>}, {transform_indices = @transform_1, window_bounds = array<i64: 400, 128>}, {transform_indices = @transform_2, window_bounds = array<i64: 400, 1>}, {pipeline_mode = #tpu.pipeline_mode<synchronous>, transform_indices = @transform_3, window_bounds = array<i64: 128, 128>}, {pipeline_mode = #tpu.pipeline_mode<synchronous>, transform_indices = @transform_4, window_bounds = array<i64: 1, 128>}, {transform_indices = @transform_5, window_bounds = array<i64: 400, 128>}]} {
    %get3A = arith.constant 0 : index
    %get3A_0 = arith.constant 0 : index
    %get3A_1 = arith.constant 0 : index
    %get3A_2 = vector.load %arg1[%get3A, %get3A_0, %get3A_1] : memref<2x400x128xf32, #tpu.memory_space<vmem>>, vector<1x400x128xf32>
    %get3A_3 = vector.shape_cast %get3A_2 : vector<1x400x128xf32> to vector<400x128xf32>
    %get3A_4 = arith.constant 1 : index
    %get3A_5 = arith.constant 0 : index
    %get3A_6 = arith.constant 0 : index
    %get3A_7 = vector.load %arg1[%get3A_4, %get3A_5, %get3A_6] : memref<2x400x128xf32, #tpu.memory_space<vmem>>, vector<1x400x128xf32>
    %get3A_8 = vector.shape_cast %get3A_7 : vector<1x400x128xf32> to vector<400x128xf32>
    %add3A = arith.addf %get3A_3, %get3A_8 : vector<400x128xf32>
    %get3A_9 = arith.constant 0 : index
    %get3A_10 = arith.constant 0 : index
    %get3A_11 = vector.load %arg2[%get3A_9, %get3A_10] : memref<400x128xf32, #tpu.memory_space<vmem>>, vector<400x128xf32>
    %add3A_12 = arith.addf %add3A, %get3A_11 : vector<400x128xf32>
    %get3A_13 = arith.constant 0 : index
    %get3A_14 = arith.constant 0 : index
    %get3A_15 = vector.load %arg3[%get3A_13, %get3A_14] : memref<400x1xf32, #tpu.memory_space<vmem>>, vector<400x1xf32>
    %mul3A = vector.broadcast %get3A_15 : vector<400x1xf32> to vector<400x128xf32>
    %mul3A_16 = arith.mulf %add3A_12, %mul3A : vector<400x128xf32>
    %get3A_17 = arith.constant 0 : index
    %get3A_18 = arith.constant 0 : index
    %get3A_19 = vector.load %arg5[%get3A_17, %get3A_18] : memref<1x128xf32, #tpu.memory_space<vmem>>, vector<1x128xf32>
    %add3A_20 = vector.broadcast %get3A_19 : vector<1x128xf32> to vector<400x128xf32>
    %add3A_21 = arith.addf %mul3A_16, %add3A_20 : vector<400x128xf32>
    %max3A = arith.constant 0.000000e+00 : f32
    %max3A_22 = vector.broadcast %max3A : f32 to vector<400x128xf32>
    %max3A_23 = arith.maximumf %add3A_21, %max3A_22 : vector<400x128xf32>
    %get3A_24 = arith.constant 0 : index
    %get3A_25 = arith.constant 0 : index
    %get3A_26 = vector.load %arg4[%get3A_24, %get3A_25] : memref<128x128xf32, #tpu.memory_space<vmem>>, vector<128x128xf32>
    %dot_general3A = arith.constant dense<0.000000e+00> : vector<400x128xf32>
    %dot_general3A_27 = tpu.matmul %max3A_23, %get3A_26, %dot_general3A {dimension_numbers = #tpu.dot_dimension_numbers<[1], [0], [0], [1], [0, 0, 1, 1], [], []>, transpose_lhs_hint = false} : vector<400x128xf32>, vector<128x128xf32>, vector<400x128xf32> -> vector<400x128xf32>
    %get3A_28 = arith.constant 0 : index
    %get3A_29 = arith.constant 0 : index
    %get3A_30 = vector.load %arg3[%get3A_28, %get3A_29] : memref<400x1xf32, #tpu.memory_space<vmem>>, vector<400x1xf32>
    %mul3A_31 = vector.broadcast %get3A_30 : vector<400x1xf32> to vector<400x128xf32>
    %mul3A_32 = arith.mulf %dot_general3A_27, %mul3A_31 : vector<400x128xf32>
    %swap3A = arith.constant 0 : index
    %swap3A_33 = arith.constant 0 : index
    %swap3A_34 = vector.load %arg6[%swap3A, %swap3A_33] : memref<400x128xf32, #tpu.memory_space<vmem>>, vector<400x128xf32>
    tpu.vector_store %arg6[%swap3A, %swap3A_33], %mul3A_32 {strides = array<i32>} : memref<400x128xf32, #tpu.memory_space<vmem>>, vector<400x128xf32>,
    return
  }
  func.func @transform_0(%arg0: i32) -> (i32, i32, i32) {
    %c0_i32 = arith.constant 0 : i32
    %c0_i32_0 = arith.constant 0 : i32
    %c0_i32_1 = arith.constant 0 : i32
    return %c0_i32, %arg0, %c0_i32_0 : i32, i32, i32
  }
  func.func @transform_1(%arg0: i32) -> (i32, i32) {
    %c0_i32 = arith.constant 0 : i32
    %c0_i32_0 = arith.constant 0 : i32
    return %arg0, %c0_i32 : i32, i32
  }
  func.func @transform_2(%arg0: i32) -> (i32, i32) {
    %c0_i32 = arith.constant 0 : i32
    %c0_i32_0 = arith.constant 0 : i32
    return %arg0, %c0_i32 : i32, i32
  }
  func.func @transform_3(%arg0: i32) -> (i32, i32) {
    %c0_i32 = arith.constant 0 : i32
    %c0_i32_0 = arith.constant 0 : i32
    %c0_i32_1 = arith.constant 0 : i32
    return %c0_i32, %c0_i32_0 : i32, i32
  }
  func.func @transform_4(%arg0: i32) -> (i32, i32) {
    %c0_i32 = arith.constant 0 : i32
    %c0_i32_0 = arith.constant 0 : i32
    %c0_i32_1 = arith.constant 0 : i32
    return %c0_i32, %c0_i32_0 : i32, i32
  }
  func.func @transform_5(%arg0: i32) -> (i32, i32) {
    %c0_i32 = arith.constant 0 : i32
    %c0_i32_0 = arith.constant 0 : i32
    return %arg0, %c0_i32 : i32, i32
  }
}

module attributes {stable_mosaic.version = 14 : i64} {
  func.func @_tc_final_body(%arg0: i32, %arg1: memref<2x400x128xf32, #tpu.memory_space<vmem>>, %arg2: memref<400x128xf32, #tpu.memory_space<vmem>>, %arg3: memref<400x1xf32, #tpu.memory_space<vmem>>, %arg4: memref<1x128xf32, #tpu.memory_space<vmem>>, %arg5: memref<400x128xf32, #tpu.memory_space<vmem>>) attributes {dimension_semantics = [#tpu.dimension_semantics<arbitrary>], iteration_bounds = array<i64: 25>, scalar_prefetch = 0 : i64, scratch_operands = 0 : i64, tpu.core_type = #tpu.core_type<tc>, window_params = [{transform_indices = @transform_0, window_bounds = array<i64: 2, 400, 128>}, {transform_indices = @transform_1, window_bounds = array<i64: 400, 128>}, {transform_indices = @transform_2, window_bounds = array<i64: 400, 1>}, {pipeline_mode = #tpu.pipeline_mode<synchronous>, transform_indices = @transform_3, window_bounds = array<i64: 1, 128>}, {transform_indices = @transform_4, window_bounds = array<i64: 400, 128>}]} {
    %get3A = arith.constant 0 : index
    %get3A_0 = arith.constant 0 : index
    %get3A_1 = arith.constant 0 : index
    %get3A_2 = vector.load %arg1[%get3A, %get3A_0, %get3A_1] : memref<2x400x128xf32, #tpu.memory_space<vmem>>, vector<1x400x128xf32>
    %get3A_3 = vector.shape_cast %get3A_2 : vector<1x400x128xf32> to vector<400x128xf32>
    %get3A_4 = arith.constant 1 : index
    %get3A_5 = arith.constant 0 : index
    %get3A_6 = arith.constant 0 : index
    %get3A_7 = vector.load %arg1[%get3A_4, %get3A_5, %get3A_6] : memref<2x400x128xf32, #tpu.memory_space<vmem>>, vector<1x400x128xf32>
    %get3A_8 = vector.shape_cast %get3A_7 : vector<1x400x128xf32> to vector<400x128xf32>
    %add3A = arith.addf %get3A_3, %get3A_8 : vector<400x128xf32>
    %get3A_9 = arith.constant 0 : index
    %get3A_10 = arith.constant 0 : index
    %get3A_11 = vector.load %arg2[%get3A_9, %get3A_10] : memref<400x128xf32, #tpu.memory_space<vmem>>, vector<400x128xf32>
    %add3A_12 = arith.addf %add3A, %get3A_11 : vector<400x128xf32>
    %get3A_13 = arith.constant 0 : index
    %get3A_14 = arith.constant 0 : index
    %get3A_15 = vector.load %arg3[%get3A_13, %get3A_14] : memref<400x1xf32, #tpu.memory_space<vmem>>, vector<400x1xf32>
    %mul3A = vector.broadcast %get3A_15 : vector<400x1xf32> to vector<400x128xf32>
    %mul3A_16 = arith.mulf %add3A_12, %mul3A : vector<400x128xf32>
    %get3A_17 = arith.constant 0 : index
    %get3A_18 = arith.constant 0 : index
    %get3A_19 = vector.load %arg4[%get3A_17, %get3A_18] : memref<1x128xf32, #tpu.memory_space<vmem>>, vector<1x128xf32>
    %add3A_20 = vector.broadcast %get3A_19 : vector<1x128xf32> to vector<400x128xf32>
    %add3A_21 = arith.addf %mul3A_16, %add3A_20 : vector<400x128xf32>
    %swap3A = arith.constant 0 : index
    %swap3A_22 = arith.constant 0 : index
    %swap3A_23 = vector.load %arg5[%swap3A, %swap3A_22] : memref<400x128xf32, #tpu.memory_space<vmem>>, vector<400x128xf32>
    tpu.vector_store %arg5[%swap3A, %swap3A_22], %add3A_21 {strides = array<i32>} : memref<400x128xf32, #tpu.memory_space<vmem>>, vector<400x128xf32>,
    return
  }
  func.func @transform_0(%arg0: i32) -> (i32, i32, i32) {
    %c0_i32 = arith.constant 0 : i32
    %c0_i32_0 = arith.constant 0 : i32
    %c0_i32_1 = arith.constant 0 : i32
    return %c0_i32, %arg0, %c0_i32_0 : i32, i32, i32
  }
  func.func @transform_1(%arg0: i32) -> (i32, i32) {
    %c0_i32 = arith.constant 0 : i32
    %c0_i32_0 = arith.constant 0 : i32
    return %arg0, %c0_i32 : i32, i32
  }
  func.func @transform_2(%arg0: i32) -> (i32, i32) {
    %c0_i32 = arith.constant 0 : i32
    %c0_i32_0 = arith.constant 0 : i32
    return %arg0, %c0_i32 : i32, i32
  }
  func.func @transform_3(%arg0: i32) -> (i32, i32) {
    %c0_i32 = arith.constant 0 : i32
    %c0_i32_0 = arith.constant 0 : i32
    %c0_i32_1 = arith.constant 0 : i32
    return %c0_i32, %c0_i32_0 : i32, i32
  }
  func.func @transform_4(%arg0: i32) -> (i32, i32) {
    %c0_i32 = arith.constant 0 : i32
    %c0_i32_0 = arith.constant 0 : i32
    return %arg0, %c0_i32 : i32, i32
  }
}

</mosaic_0001>

<sc_bundles>
// kernel: _run.12.cloned.1.call-start
scs
__scs_entry_jumppad:
0x0: {  	(pc) =	sbr.rel $0x88, $3  }
0x1: {  	(tag) =	ssettag $0x0;
	lr =	simm.s32 $0x1  }
0x2: {  	[smem:$0x3F9B] =	sst lr;
	_ =	strace $0xD0000000  }
0x3: {  	_ = 	snop  }
0x4: {  	_ = 	snop  }
0x5: {  	_ = 	snop  }
0x6: {  	_ = 	snop  }
0x7: {  	_ = 	snop  }
__scs_overlays_trampoline_lowered:
0x8: {  	[smem:$0x3FAA] =	sst s0  }
0x9: {  	[smem:$0x3FAB] =	sst s1  }
0xa: {  	[smem:$0x3FAC] =	sst s2  }
0xb: {  	[smem:$0x3FAD] =	sst s3  }
0xc: {  	[smem:$0x3FAE] =	sst s4  }
0xd: {  	[smem:$0x3FAF] =	sst s5  }
0xe: {  	[smem:$0x3FB0] =	sst s6  }
0xf: {  	[smem:$0x3FB1] =	sst s7  }
0x10: {  	[smem:$0x3FB2] =	sst s8  }
0x11: {  	[smem:$0x3FB3] =	sst s9;
	s0 =	simm.s32 @!p0 $0x0  }
0x12: {  	s1 =	sld [smem:$0x3F99];
	s0 =	simm.s32 @p0 $0x1  }
0x13: {  	[smem:$0x3FB4] =	sst s0;
	s0 =	simm.s32 @!p1 $0x0  }
0x14: {  	s2 =	sld [smem:$0x3F98];
	s0 =	simm.s32 @p1 $0x1  }
0x15: {  	[smem:$0x3FB5] =	sst s0;
	s0 =	simm.s32 @!p2 $0x0  }
0x16: {  	s3 =	sld [smem:$0x3FDB];
	s0 =	simm.s32 @p2 $0x1  }
0x17: {  	s4 =	simm.s32 $0x1BF5;
	[smem:$0x3FB7] =	sst s0  }
0x18: {  	s0 =	sld [smem:$0x3F9A];
	_ =	swait.ge [sflag:s4], $0x0  }
0x19: {  	s7 =	sld [smem:$0x3F9B]  }
0x1a: {  	s8 =	sadd.s32 $0xFFFFE003, lr  }
0x1b: {  	s9 =	sadd.s32 $0xFFFFFEF7, lr;
	s5 =	simm.s32 $0xFFFFFFFF;
	p2 =	slt.u32 s8, $0xFFFFF086  }
0x1c: {  	p1 =	slt.u32 s9, $0xF7A;
	s5 =	simm.s32 @!p2 $0x0  }
0x1d: {  	s5 =	simm.s32 @p1 $0x1;
	p0 =	seq.s32 s7, s2  }
0x1e: {  	s7 =	smul.u32 @!p0 $0xF7A, s2;
	p2 =	seq.s32 @!p0 s5, $0x0  }
0x1f: {  	s9 =	smul.u32 $0xF7A, s1;
	s8 =	simm.s32 @!p0 $0x1BF5;
	p2 =	por !p2, p0  }
0x20: {  	[sflag:s8] =	ssyncset.s32 @!p0 $0xFFFFF086;
	s6 =	sadd.s32 @!p0 s3, s7;
	s7 =	simm.s32 @!p0 $0x108  }
0x21: {  	s3 =	sadd.s32 s3, s9;
	s6 =	sadd.s32 @!p0 $0x88, s6;
	s7 =	simm.s32 @p2 $0x1082  }
0x22: {  	[simem:s7], [sflag:s8] =	dma.local @!p0 [hbm:s6], $0xF7A  }
0x23: {  	s9 =	sor.u32 $0xD0000000, s2;
	s6 =	simm.s32 $0x108;
	_ =	swait.ge @!p0 [sflag:s8], $0x0  }
0x24: {  	s3 =	sadd.s32 $0x88, s3;
	s6 =	simm.s32 @!p1 $0x1082;
	[sflag:s4] =	ssyncset.s32 $0xFFFFF086  }
0x25: {  	[simem:s6], [sflag:s4] =	dma.local [hbm:s3], $0xF7A  }
0x26: {  	[smem:$0x3F9B] =	sst s1;
	(tag) =	ssettag s2;
	_ =	strace s9  }
0x27: {  	s1 =	sld [smem:$0x3FAB]  }
0x28: {  	s2 =	sld [smem:$0x3FAC]  }
0x29: {  	s4 =	sld [smem:$0x3FAE]  }
0x2a: {  	p0 =	seq.s32 s5, $0x0;
	s5 =	sld [smem:$0x3FAF]  }
0x2b: {  	s6 =	sld [smem:$0x3FB0]  }
0x2c: {  	s7 =	sld [smem:$0x3FB1]  }
0x2d: {  	s3 =	simm.s32 $0x108;
	s8 =	sld [smem:$0x3FB2]  }
0x2e: {  	s3 =	simm.s32 @!p0 $0x1082;
	s9 =	sld [smem:$0x3FB3]  }
0x2f: {  	lr =	sadd.s32 s0, s3;
	s0 =	sld [smem:$0x3FAA]  }
0x30: {  	s3 =	sld [smem:$0x3FAD]  }
0x31: {  	[smem:$0x3FB6] =	sst s10  }
0x32: {  	s10 =	sld [smem:$0x3FB4];
	_ =	sdelay $0x3  }
0x33: {  	p0 =	seq.s32 s10, $0x1;
	s10 =	sld [smem:$0x3FB6];
	_ =	sdelay $0x3  }
0x34: {  	[smem:$0x3FB6] =	sst s10  }
0x35: {  	s10 =	sld [smem:$0x3FB5];
	_ =	sdelay $0x3  }
0x36: {  	p1 =	seq.s32 s10, $0x1;
	s10 =	sld [smem:$0x3FB6];
	_ =	sdelay $0x3  }
0x37: {  	[smem:$0x3FB6] =	sst s10  }
0x38: {  	s10 =	sld [smem:$0x3FB7]  }
0x39: {  	_ = 	snop;
	(pc) =	sbr.ind lr, $3  }
0x3a: {  	_ = 	snop  }
0x3b: {  	_ = 	snop  }
0x3c: {  	p2 =	seq.s32 s10, $0x1;
	s10 =	sld [smem:$0x3FB6]  }
0x3d: {  	_ =	shalt  }
0x3e: {  	_ =	shalt  }
0x3f: {  	_ =	shalt  }
0x40: {  	_ =	shalt  }
0x41: {  	_ =	shalt  }
0x42: {  	_ =	shalt  }
0x43: {  	_ =	shalt  }
0x44: {  	_ =	shalt  }
0x45: {  	_ =	shalt  }
0x46: {  	_ =	shalt  }
0x47: {  	_ =	shalt  }
0x48: {  	_ =	shalt  }
0x49: {  	_ =	shalt  }
0x4a: {  	_ =	shalt  }
0x4b: {  	_ =	shalt  }
0x4c: {  	_ =	shalt  }
0x4d: {  	_ =	shalt  }
0x4e: {  	_ =	shalt  }
0x4f: {  	_ =	shalt  }
0x50: {  	_ =	shalt  }
0x51: {  	_ =	shalt  }
0x52: {  	_ =	shalt  }
0x53: {  	_ =	shalt  }
0x54: {  	_ =	shalt  }
0x55: {  	_ =	shalt  }
0x56: {  	_ =	shalt  }
0x57: {  	_ =	shalt  }
0x58: {  	_ =	shalt  }
0x59: {  	_ =	shalt  }
0x5a: {  	_ =	shalt  }
0x5b: {  	_ =	shalt  }
0x5c: {  	_ =	shalt  }
0x5d: {  	_ =	shalt  }
0x5e: {  	_ =	shalt  }
0x5f: {  	_ =	shalt  }
0x60: {  	_ =	shalt  }
0x61: {  	_ =	shalt  }
0x62: {  	_ =	shalt  }
0x63: {  	_ =	shalt  }
0x64: {  	_ =	shalt  }
0x65: {  	_ =	shalt  }
0x66: {  	_ =	shalt  }
0x67: {  	_ =	shalt  }
0x68: {  	_ =	shalt  }
0x69: {  	_ =	shalt  }
0x6a: {  	_ =	shalt  }
0x6b: {  	_ =	shalt  }
0x6c: {  	_ =	shalt  }
0x6d: {  	_ =	shalt  }
0x6e: {  	_ =	shalt  }
0x6f: {  	_ =	shalt  }
0x70: {  	_ =	shalt  }
0x71: {  	_ =	shalt  }
0x72: {  	_ =	shalt  }
0x73: {  	_ =	shalt  }
0x74: {  	_ =	shalt  }
0x75: {  	_ =	shalt  }
0x76: {  	_ =	shalt  }
0x77: {  	_ =	shalt  }
0x78: {  	_ =	shalt  }
0x79: {  	_ =	shalt  }
0x7a: {  	_ =	shalt  }
0x7b: {  	_ =	shalt  }
0x7c: {  	_ =	shalt  }
0x7d: {  	_ =	shalt  }
0x7e: {  	_ =	shalt  }
0x7f: {  	_ =	shalt  }
0x80: {  	_ =	shalt  }
0x81: {  	_ =	shalt  }
0x82: {  	_ =	shalt  }
0x83: {  	_ =	shalt  }
0x84: {  	_ =	shalt  }
0x85: {  	_ =	shalt  }
0x86: {  	_ =	shalt  }
0x87: {  	_ =	shalt  }
.Lfunc_end0:
.L_simem_size_0:
called_computation.1_lowered:
.L_overlay_start_0:
0x88: {  	s2 =	sld [smem:$0x3FD9]  }
0x89: {  	s3 =	sld [smem:$0x3FFE];
	_ =	sdelay $0x1  }
0x8a: {  	s1 =	srdreg.scid  }
0x8b: {  	s0 =	sand.u32 $0x1, s1  }
0x8c: {  	s17 =	sshll.u32 s0, $0xA;
	s2 =	sadd.s32 s3, s2  }
0x8d: {  	s2 =	sadd.s32 s2, s17  }
0x8e: {  	[smem:$0x3FC2] =	sst s2  }
0x8f: {  	_ = 	snop  }
0x90: {  	s2 =	sld [smem:$0x3FD0];
	(tm) =	ssettm $0x1  }
0x91: {  	s18 =	sld [smem:$0x3FFB];
	_ =	sdelay $0x3  }
0x92: {  	_ =	strace s18  }
0x93: {  	s3 =	sld [smem:$0x3FFC];
	_ =	sdelay $0x3  }
0x94: {  	_ =	strace s3  }
0x95: {  	s3 =	sld [smem:$0x3FFD];
	_ =	sdelay $0x3  }
0x96: {  	_ =	strace s3  }
0x97: {  	_ =	strace $0x8FFFFFFF  }
0x98: {  	s19 =	sld [smem:$0x3FDB];
	_ =	sdelay $0x1  }
0x99: {  	s4 =	simm.s32 $_scs_section_size  }
0x9a: {  	s5 =	simm.s32 $_size__tile_overlayer_lowered;
	s6 =	simm.s32 $_tile_overlayer_lowered  }
0x9b: {  	s22 =	simm.s32 $0x1BFF;
	s21 =	sshll.u32 s6, $0x1;
	s3 =	sadd.s32 s4, s19  }
0x9c: {  	s7 =	simm.s32 $0x0;
	s20 =	sshll.u32 s5, $0x1;
	s5 =	sadd.s32 s21, s3  }
0x9d: {  	[timem:s7], [sflag:s22] =	dma.local [hbm:s5], s20  }
0x9e: {  	_ =	swait.ge [sflag:s22], s20  }
0x9f: {  	s4 =	ssub.s32 $0x0, s20;
	[sflag:s22] =	ssyncset.done $0x0  }
0xa0: {  	[sflag:s22] =	ssyncadd.s32 s4;
	_ =	sdelay $0x1  }
0xa1: {  	s23 =	simm.s32 $0x1B8B  }
0xa2: {  	_ =	swait.ge [sflag:s23], $0x1  }
0xa3: {  	[sflag:s23] =	ssyncset.done $0x0  }
0xa4: {  	s25 =	simm.s32 $0x1B8E;
	s24 =	sld [smem:$0x3FFE];
	[sflag:s23] =	ssyncadd.s32 $0xFFFFFFFF  }
0xa5: {  	s26 =	simm.s32 $execute0_lowered;
	[smem:$0x3FD2] =	sst s25  }
0xa6: {  	s5 =	sshll.u32 s26, $0x1;
	_ =	strace $0x80000049;
	[dreg:$0x1] =	wrdreg $0xFFFFFFFF  }
0xa7: {  	s28 =	simm.s32 $_size_execute0_lowered;
	s3 =	sadd.s32 s3, s5;
	[dreg:$0x0] =	wrdreg $0x0  }
0xa8: {  	s5 =	sshll.u32 s28, $0x1;
	[dreg:$0x2] =	wrdreg s3  }
0xa9: {  	[dreg:$0x3] =	wrdreg s5  }
0xaa: {  	[dreg:$0x4] =	wrdreg $0xC0  }
0xab: {  	_ =	task [dreg:s7], $0x5FFFF  }
0xac: {  	[dreg:$0x1] =	wrdreg $0xFFFFFFFF  }
0xad: {  	[dreg:$0x0] =	wrdreg $0x60  }
0xae: {  	[dreg:$0x2] =	wrdreg s2  }
0xaf: {  	[dreg:$0x3] =	wrdreg s24  }
0xb0: {  	[dreg:$0x4] =	wrdreg $0x0  }
0xb1: {  	[dreg:$0x5] =	wrdreg $0x9  }
0xb2: {  	_ =	task.clear_ibuf [dreg:s7], $0x6FFFF;
	_ =	strace $0x90000049  }
0xb3: {  	s29 =	simm.s32 $0x9;
	_ =	strace $0x8000004B  }
0xb4: {  	_ =	swait.ge [sflag:s29], $0x1  }
0xb5: {  	[sflag:s29] =	ssyncadd.s32 $0xFFFFFFFF  }
0xb6: {  	_ =	strace $0x9000004B  }
0xb7: {  	_ =	sfence  }
0xb8: {  	s30 =	sld [smem:$0x0];
	_ =	sdelay $0x2  }
0xb9: {  	s31 =	sshll.u32 s1, $0xD;
	s1 =	sshrl.u32 s1, $0x2  }
0xba: {  	s3 =	sand.u32 $0x4000, s31;
	s1 =	sadd.s32 s1, s30  }
0xbb: {  	s0 =	sor.u32 s3, s0;
	s1 =	sshll.u32 s1, $0x11  }
0xbc: {  	s0 =	sor.u32 s1, s0  }
0xbd: {  	s0 =	sadd.s32 $0x8F2B, s0  }
0xbe: {  	[sflag:s0] =	ssyncadd.remote.s32 $0x1  }
0xbf: {  	_ =	sfence.sel $0xFFFF  }
0xc0: {  	[dreg:$0x0] =	wrdreg $0xFFFFFFFF;
	(pc) =	sbr.abs _section_cstart, $3  }
0xc1: {  	[dreg:$0x1] =	wrdreg $0xFFFFFFFF  }
0xc2: {  	_ =	task.clear_ibuf [dreg:s7], $0x2FFFF;
	_ =	strace $0x9FFFFFFF  }
0xc3: {  	(tm) =	ssettm $0x7FFFFFFF  }
tec
execute0_lowered:
.L_overlay_start_1:
0x0: {  	(tag) =	ssettag $0x1  }
0x1: {  	s1 =	rddreg [dreg:$0x0]  }
0x2: {  	s7 =	rddreg [dreg:$0x1]  }
0x3: {  	s3 =	rddreg [dreg:$0x2]  }
0x4: {  	s0 =	rddreg [dreg:$0x3];
	s5 =	srdreg.scid  }
0x5: {  	s4 =	simm.s32 $0x0;
	s2 =	stileid.u32;
	s16 =	simm.s32 $0x13C80  }
0x6: {  	s17 =	simm.s32 $0x1;
	s18 =	simm.s32 $0x80;
	s19 =	simm.s32 $0x17D00  }
0x7: {  	s20 =	simm.s32 $0x2;
	s21 =	simm.s32 $0x1BD00;
	s22 =	simm.s32 $0x3  }
0x8: {  	s23 =	simm.s32 $0x4;
	s24 =	simm.s32 $0x0;
	s10 =	sand.u32 $0x1, s5  }
0x9: {  	s6 =	sshll.u32 s2, $0xE;
	s8 =	smul.u32 $0x13C00, s2;
	[smem:$0x7FF] =	sst s4  }
0xa: {  	s13 =	smul.u32 $0x4F000, s2;
	s31 =	sshll.u32 s2, $0x6;
	s5 =	sshll.u32 s10, $0x12  }
0xb: {  	s9 =	smul.u32 $0x13C000, s10;
	_ =	strace $0x8000004A;
	s28 =	ssub.s32 $0x2, s10  }
0xc: {  	p0 =	seq.s32 s10, $0x0;
	s10 =	simm.s32 $0x3E00;
	s5 =	sor.u32 s6, s5  }
0xd: {  	s6 =	sadd.s32 $0x88800, s7;
	s12 =	sshrl.u32 s8, $0x3;
	s29 =	sshrl.u32 s28, $0x1  }
0xe: {  	s30 =	sshrl.u32 s13, $0x2;
	s10 =	simm.s32 @!p0 $0x1200;
	s11 =	sshrl.u32 s5, $0x3  }
0xf: {  	s8 =	sadd.s32 s8, s9;
	s12 =	sadd.s32 s12, s7;
	s15 =	ssub.s32 s28, s29  }
0x10: {  	s13 =	sadd.s32 s30, s3;
	s11 =	sadd.s32 s11, s7;
	s8 =	sshrl.u32 s8, $0x3  }
0x11: {  	s13 =	sshrl.u32 s13, $0x3;
	s14 =	sadd.s32 s8, s7;
	s7 =	sadd.s32 $0x2000, s12  }
0x12: {  	s8 =	sor.u32 $0x1C05, s31;
	s9 =	sadd.s32 $0x78800, s11;
	s12 =	smax.u32 s15, $0x1  }
0x13: {  	s15 =	simm.s32 $0x13C00;
	s11 =	sadd.s32 $0x29800, s14;
	s14 =	simm.s32 $0x5  }
.LBB2_1:
0x14: {  	[spmem:s13], [sflag:s8] =	dma.local [hbm:s7], $0x2780  }
0x15: {  	_ =	swait.ge [sflag:s14], $0x2780  }
0x16: {  	s25 =	simm.s32 $0x13D00;
	[sflag:s14] =	ssyncset.done $0x0  }
0x17: {  	s30 =	simm.s32 $0x100;
	p1 =	sne.s32 s10, $0x100;
	[sflag:s14] =	ssyncadd.s32 $0xFFFFD880  }
0x18: {  	[tilespmem:s25], [sflag:$0x5] =	stream.linear.gather [hbm4b:s9+s4], $0x3E00, $0x38;
	[tilespmem:$0x1FD00] =	vst v63  }
.Ltmp0:
0x19: {  	s26 =	simm.s32 $0x80;
	_ =	swait.ge [sflag:s14], $0x3E00;
	(pc) =	sbr.rel @!p1 .LBB2_2-.Ltmp0, $4  }
0x1a: {  	s28 =	sand.u32 $0xFFFFFC00, s4;
	s29 =	sand.u32 $0x300, s4;
	[sflag:s14] =	ssyncset.done $0x0  }
0x1b: {  	s28 =	sadd.s32 s5, s28;
	s26 =	sand.u32 $0x380, s26;
	[sflag:s14] =	ssyncadd.s32 $0xFFFFC200  }
0x1c: {  	s29 =	sor.u32 s29, s28;
	s26 =	sor.u32 s28, s26;
	[bflag:$0x0] =	sbarrier.arrive $0xFFFF  }
0x1d: {  	p0 =	por $0x0, $0x0;
	s31 =	sshrl.u32 s29, $0x3;
	s29 =	sshrl.u32 s26, $0x3  }
0x1e: {  	s26 =	sadd.s32 s6, s31  }
0x1f: {  	[tilespmem:s15], [sflag:$0x1] =	stream.linear.gather [hbm4b:s26+s4], $0x80, $0x38;
	[tilespmem:$0x1FD00] =	vst v63  }
0x20: {  	s26 =	sadd.s32 s6, s29  }
0x21: {  	[tilespmem:s16], [sflag:$0x2] =	stream.linear.gather [hbm4b:s26+s4], $0x80, $0x38;
	[tilespmem:$0x1FD00] =	vst v63  }
0x22: {  	_ =	swait.ge [sflag:s17], $0x80  }
0x23: {  	[sflag:s17] =	ssyncset.done $0x0  }
0x24: {  	[sflag:s17] =	ssyncadd.s32 $0xFFFFFF80  }
0x25: {  	[tilespmem:s19], [sflag:$0x3] =	stream.indirect.gather [hbm4b:s1+s18], $0x80, s15, s18, $0xb8;
	[tilespmem:$0x1FD00] =	vst v63  }
0x26: {  	_ =	swait.ge [sflag:s20], $0x80  }
0x27: {  	[sflag:s20] =	ssyncset.done $0x0  }
0x28: {  	[sflag:s20] =	ssyncadd.s32 $0xFFFFFF80  }
0x29: {  	[tilespmem:s21], [sflag:$0x4] =	stream.indirect.gather [hbm4b:s1+s18], $0x80, s16, s18, $0xb8;
	[tilespmem:$0x1FD00] =	vst v63  }
0x2a: {  	_ =	swait.ge [sflag:s22], $0x4000  }
0x2b: {  	p1 =	sne.s32 s10, $0x200;
	[sflag:s22] =	ssyncset.done $0x0  }
0x2c: {  	s28 =	simm.s32 $0x13D80;
	s31 =	sand.u32 $0xFFFFFC00, s30;
	[sflag:s22] =	ssyncadd.s32 $0xFFFFC000  }
0x2d: {  	[spmem:s3] =	stream.indirect.scatter.add.f32 [tilespmem:s19], [sflag:$0x5], $0x80, s25, s18, $0xb8;
	[tilespmem:$0x1FD00] =	vst v63  }
0x2e: {  	s30 =	sand.u32 $0x300, s30;
	p0 =	por $0x1, $0x1;
	_ =	swait.ge [sflag:s14], $0x4000  }
.Ltmp1:
0x2f: {  	s29 =	simm.s32 $0x180;
	[sflag:s14] =	ssyncset.done $0x0;
	(pc) =	sbr.rel @!p1 .LBB2_5-.Ltmp1, $4  }
0x30: {  	s31 =	sadd.s32 s5, s31;
	s29 =	sand.u32 $0x380, s29;
	[sflag:s14] =	ssyncadd.s32 $0xFFFFC000  }
0x31: {  	s30 =	sor.u32 s30, s31;
	s26 =	simm.s32 $0x200;
	_ =	swait.ge [sflag:s23], $0x4000  }
0x32: {  	s29 =	sor.u32 s31, s29;
	s31 =	sshrl.u32 s30, $0x3;
	[sflag:s23] =	ssyncset.done $0x0  }
0x33: {  	s29 =	sshrl.u32 s29, $0x3;
	s25 =	simm.s32 $0x13E00;
	[sflag:s23] =	ssyncadd.s32 $0xFFFFC000  }
.LBB2_4:
0x34: {  	[spmem:s3] =	stream.indirect.scatter.add.f32 [tilespmem:s21], [sflag:$0x5], $0x80, s28, s18, $0xb8;
	[tilespmem:$0x1FD00] =	vst v63  }
0x35: {  	s30 =	smov.u32 s26;
	s26 =	sadd.s32 $0x100, s26;
	_ =	swait.ge [sflag:s14], $0x4000  }
0x36: {  	p1 =	sne.s32 s10, s26;
	[sflag:s14] =	ssyncset.done $0x0  }
0x37: {  	s28 =	sadd.s32 s6, s31;
	[sflag:s14] =	ssyncadd.s32 $0xFFFFC000  }
0x38: {  	[tilespmem:s15], [sflag:$0x1] =	stream.linear.gather [hbm4b:s28+s4], $0x80, $0x38;
	[tilespmem:$0x1FD00] =	vst v63  }
0x39: {  	s28 =	sadd.s32 s6, s29  }
0x3a: {  	[tilespmem:s16], [sflag:$0x2] =	stream.linear.gather [hbm4b:s28+s4], $0x80, $0x38;
	[tilespmem:$0x1FD00] =	vst v63  }
0x3b: {  	_ =	swait.ge [sflag:s17], $0x80  }
0x3c: {  	[sflag:s17] =	ssyncset.done $0x0  }
0x3d: {  	[sflag:s17] =	ssyncadd.s32 $0xFFFFFF80  }
0x3e: {  	[tilespmem:s19], [sflag:$0x3] =	stream.indirect.gather [hbm4b:s1+s18], $0x80, s15, s18, $0xb8;
	[tilespmem:$0x1FD00] =	vst v63  }
0x3f: {  	_ =	swait.ge [sflag:s20], $0x80  }
0x40: {  	[sflag:s20] =	ssyncset.done $0x0  }
0x41: {  	[sflag:s20] =	ssyncadd.s32 $0xFFFFFF80  }
0x42: {  	[tilespmem:s21], [sflag:$0x4] =	stream.indirect.gather [hbm4b:s1+s18], $0x80, s16, s18, $0xb8;
	[tilespmem:$0x1FD00] =	vst v63  }
0x43: {  	_ =	swait.ge [sflag:s22], $0x4000  }
0x44: {  	[sflag:s22] =	ssyncset.done $0x0  }
0x45: {  	[sflag:s22] =	ssyncadd.s32 $0xFFFFC000  }
0x46: {  	[spmem:s3] =	stream.indirect.scatter.add.f32 [tilespmem:s19], [sflag:$0x5], $0x80, s25, s18, $0xb8;
	[tilespmem:$0x1FD00] =	vst v63  }
0x47: {  	s28 =	sadd.s32 $0x80, s25;
	s25 =	sadd.s32 $0x100, s25;
	_ =	swait.ge [sflag:s14], $0x4000  }
.Ltmp2:
0x48: {  	s29 =	sadd.s32 $0x80, s30;
	[sflag:s14] =	ssyncset.done $0x0;
	(pc) =	sbr.rel @p1 .LBB2_4-.Ltmp2, $4  }
0x49: {  	s31 =	sand.u32 $0xFFFFFC00, s30;
	s30 =	sand.u32 $0x300, s30;
	[sflag:s14] =	ssyncadd.s32 $0xFFFFC000  }
0x4a: {  	s31 =	sadd.s32 s5, s31;
	s29 =	sand.u32 $0x380, s29;
	_ =	swait.ge [sflag:s23], $0x4000  }
0x4b: {  	s30 =	sor.u32 s30, s31;
	s29 =	sor.u32 s31, s29;
	[sflag:s23] =	ssyncset.done $0x0  }
0x4c: {  	s31 =	sshrl.u32 s30, $0x3;
	s29 =	sshrl.u32 s29, $0x3;
	[sflag:s23] =	ssyncadd.s32 $0xFFFFC000  }
.LBB2_5:
0x4d: {  	[spmem:s3] =	stream.indirect.scatter.add.f32 @p0 [tilespmem:s21], [sflag:$0x5], $0x80, s28, s18, $0xb8;
	[tilespmem:$0x1FD00] =	vst v63  }
0x4e: {  	_ =	swait.ge @p0 [sflag:s14], $0x4000  }
0x4f: {  	[sflag:s14] =	ssyncset.done @p0 $0x0  }
0x50: {  	s26 =	sadd.s32 s6, s31;
	[sflag:s14] =	ssyncadd.s32 @p0 $0xFFFFC000  }
0x51: {  	[tilespmem:s15], [sflag:$0x1] =	stream.linear.gather [hbm4b:s26+s4], $0x80, $0x38;
	[tilespmem:$0x1FD00] =	vst v63  }
0x52: {  	s30 =	sadd.s32 s6, s29  }
0x53: {  	[tilespmem:s16], [sflag:$0x2] =	stream.linear.gather [hbm4b:s30+s4], $0x80, $0x38;
	[tilespmem:$0x1FD00] =	vst v63  }
0x54: {  	_ =	swait.ge [sflag:s17], $0x80  }
0x55: {  	[sflag:s17] =	ssyncset.done $0x0  }
0x56: {  	[sflag:s17] =	ssyncadd.s32 $0xFFFFFF80  }
0x57: {  	[tilespmem:s19], [sflag:$0x3] =	stream.indirect.gather [hbm4b:s1+s18], $0x80, s15, s18, $0xb8;
	[tilespmem:$0x1FD00] =	vst v63  }
0x58: {  	_ =	swait.ge [sflag:s20], $0x80  }
0x59: {  	[sflag:s20] =	ssyncset.done $0x0  }
0x5a: {  	[sflag:s20] =	ssyncadd.s32 $0xFFFFFF80  }
0x5b: {  	[tilespmem:s21], [sflag:$0x4] =	stream.indirect.gather [hbm4b:s1+s18], $0x80, s16, s18, $0xb8;
	[tilespmem:$0x1FD00] =	vst v63  }
0x5c: {  	_ =	swait.ge [sflag:s22], $0x4000  }
0x5d: {  	[sflag:s22] =	ssyncset.done $0x0  }
0x5e: {  	[sflag:s22] =	ssyncadd.s32 $0xFFFFC000  }
0x5f: {  	[spmem:s3] =	stream.indirect.scatter.add.f32 [tilespmem:s19], [sflag:$0x5], $0x80, s25, s18, $0xb8;
	[tilespmem:$0x1FD00] =	vst v63  }
0x60: {  	_ =	swait.ge [sflag:s14], $0x4000  }
0x61: {  	[sflag:s14] =	ssyncset.done $0x0  }
0x62: {  	[sflag:s14] =	ssyncadd.s32 $0xFFFFC000  }
0x63: {  	_ =	swait.ge [sflag:s23], $0x4000  }
0x64: {  	[sflag:s23] =	ssyncset.done $0x0  }
0x65: {  	s31 =	sadd.s32 $0x80, s25;
	[sflag:s23] =	ssyncadd.s32 $0xFFFFC000  }
0x66: {  	[spmem:s3] =	stream.indirect.scatter.add.f32 [tilespmem:s21], [sflag:$0x5], $0x80, s31, s18, $0xb8;
	[tilespmem:$0x1FD00] =	vst v63  }
0x67: {  	_ =	swait.ge [sflag:s14], $0x4000  }
0x68: {  	[sflag:s14] =	ssyncset.done $0x0  }
0x69: {  	s24 =	sadd.s32 $0x1, s24;
	[sflag:s14] =	ssyncadd.s32 $0xFFFFC000  }
0x6a: {  	p0 =	sne.s32 s24, s12;
	[bflag:$0x0] =	sbarrier.arrive $0xFFFF  }
0x6b: {  	[hbm:s11], [sflag:s8] =	dma.local [spmem:s13], $0x2780  }
.Ltmp3:
0x6c: {  	_ = 	snop;
	(pc) =	sbr.rel @p0 .LBB2_1-.Ltmp3, $4  }
.Ltmp4:
0x6d: {  	_ = 	snop;
	(pc) =	sbr.rel @!p0 .LBB2_6-.Ltmp4, $4  }
0x6e: {  	_ =	swait.ge [sflag:s14], $0x2780  }
0x6f: {  	[sflag:s14] =	ssyncset.done $0x0  }
0x70: {  	[sflag:s14] =	ssyncadd.s32 $0xFFFFD880  }
0x71: {  	_ = 	snop  }
.LBB2_2:
.Ltmp5:
0x72: {  	(pc) =	sbr.rel .LBB2_5-.Ltmp5, $2  }
0x73: {  	_ =	sdelay $0x2  }
0x74: {  	_ = 	snop  }
.LBB2_6:
0x75: {  	_ =	sfence.sel $0x180000  }
0x76: {  	[bflag:$0x0] =	sbarrier.arrive $0xFFFF  }
0x77: {  	p0 =	sne.s32 s2, $0x0;
	_ =	strace $0x9000004A  }
0x78: {  	s0 =	sadd.s32 @!p0 $0x100000, s0;
	[bflag:$0x2] =	sbarrier.arrive $0xFFFF  }
0x79: {  	[sflag:s0] =	ssyncadd.tile.s32 @!p0 $0x1;
	_ =	shalt  }
.Lfunc_end2:
_tile_overlayer_lowered:
.L_overlay_start_2:
0x7a: {  	(tag) =	ssettag $0x2  }
0x7b: {  	s0 =	rddreg [dreg:$0x0];
	s2 =	stileid.u32  }
0x7c: {  	s1 =	rddreg [dreg:$0x1];
	p0 =	sne.s32 s2, $0x0  }
0x7d: {  	s3 =	rddreg [dreg:$0x2];
	[bflag:$0x3] =	sbarrier.arrive $0xFFFF;
	s2 =	simm.s32 @!p0 $0x1C05  }
0x7e: {  	[timem:s3], [sflag:s2] =	dma.local @!p0 [hbm:s0], s1  }
0x7f: {  	s0 =	simm.s32 @!p0 $0x5  }
0x80: {  	_ =	swait.ge @!p0 [sflag:s0], s1  }
0x81: {  	s1 =	ssub.s32 @!p0 $0x0, s1;
	[sflag:s0] =	ssyncset.done @!p0 $0x0  }
0x82: {  	[sflag:s0] =	ssyncadd.s32 @!p0 s1  }
0x83: {  	[bflag:$0x3] =	sbarrier.arrive $0xFFFF  }
0x84: {  	_ =	shalt  }

// kernel: _run.15.cloned.1.call-start
scs
__scs_entry_jumppad:
0x0: {  	(pc) =	sbr.rel $0x88, $3  }
0x1: {  	(tag) =	ssettag $0x0;
	lr =	simm.s32 $0x1  }
0x2: {  	[smem:$0x3F9B] =	sst lr;
	_ =	strace $0xD0000000  }
0x3: {  	_ = 	snop  }
0x4: {  	_ = 	snop  }
0x5: {  	_ = 	snop  }
0x6: {  	_ = 	snop  }
0x7: {  	_ = 	snop  }
__scs_overlays_trampoline_lowered:
0x8: {  	[smem:$0x3FAA] =	sst s0  }
0x9: {  	[smem:$0x3FAB] =	sst s1  }
0xa: {  	[smem:$0x3FAC] =	sst s2  }
0xb: {  	[smem:$0x3FAD] =	sst s3  }
0xc: {  	[smem:$0x3FAE] =	sst s4  }
0xd: {  	[smem:$0x3FAF] =	sst s5  }
0xe: {  	[smem:$0x3FB0] =	sst s6  }
0xf: {  	[smem:$0x3FB1] =	sst s7  }
0x10: {  	[smem:$0x3FB2] =	sst s8  }
0x11: {  	[smem:$0x3FB3] =	sst s9;
	s0 =	simm.s32 @!p0 $0x0  }
0x12: {  	s1 =	sld [smem:$0x3F99];
	s0 =	simm.s32 @p0 $0x1  }
0x13: {  	[smem:$0x3FB4] =	sst s0;
	s0 =	simm.s32 @!p1 $0x0  }
0x14: {  	s2 =	sld [smem:$0x3F98];
	s0 =	simm.s32 @p1 $0x1  }
0x15: {  	[smem:$0x3FB5] =	sst s0;
	s0 =	simm.s32 @!p2 $0x0  }
0x16: {  	s3 =	sld [smem:$0x3FDB];
	s0 =	simm.s32 @p2 $0x1  }
0x17: {  	s4 =	simm.s32 $0x1BF5;
	[smem:$0x3FB7] =	sst s0  }
0x18: {  	s0 =	sld [smem:$0x3F9A];
	_ =	swait.ge [sflag:s4], $0x0  }
0x19: {  	s7 =	sld [smem:$0x3F9B]  }
0x1a: {  	s8 =	sadd.s32 $0xFFFFE003, lr  }
0x1b: {  	s9 =	sadd.s32 $0xFFFFFEF7, lr;
	s5 =	simm.s32 $0xFFFFFFFF;
	p2 =	slt.u32 s8, $0xFFFFF086  }
0x1c: {  	p1 =	slt.u32 s9, $0xF7A;
	s5 =	simm.s32 @!p2 $0x0  }
0x1d: {  	s5 =	simm.s32 @p1 $0x1;
	p0 =	seq.s32 s7, s2  }
0x1e: {  	s7 =	smul.u32 @!p0 $0xF7A, s2;
	p2 =	seq.s32 @!p0 s5, $0x0  }
0x1f: {  	s9 =	smul.u32 $0xF7A, s1;
	s8 =	simm.s32 @!p0 $0x1BF5;
	p2 =	por !p2, p0  }
0x20: {  	[sflag:s8] =	ssyncset.s32 @!p0 $0xFFFFF086;
	s6 =	sadd.s32 @!p0 s3, s7;
	s7 =	simm.s32 @!p0 $0x108  }
0x21: {  	s3 =	sadd.s32 s3, s9;
	s6 =	sadd.s32 @!p0 $0x88, s6;
	s7 =	simm.s32 @p2 $0x1082  }
0x22: {  	[simem:s7], [sflag:s8] =	dma.local @!p0 [hbm:s6], $0xF7A  }
0x23: {  	s9 =	sor.u32 $0xD0000000, s2;
	s6 =	simm.s32 $0x108;
	_ =	swait.ge @!p0 [sflag:s8], $0x0  }
0x24: {  	s3 =	sadd.s32 $0x88, s3;
	s6 =	simm.s32 @!p1 $0x1082;
	[sflag:s4] =	ssyncset.s32 $0xFFFFF086  }
0x25: {  	[simem:s6], [sflag:s4] =	dma.local [hbm:s3], $0xF7A  }
0x26: {  	[smem:$0x3F9B] =	sst s1;
	(tag) =	ssettag s2;
	_ =	strace s9  }
0x27: {  	s1 =	sld [smem:$0x3FAB]  }
0x28: {  	s2 =	sld [smem:$0x3FAC]  }
0x29: {  	s4 =	sld [smem:$0x3FAE]  }
0x2a: {  	p0 =	seq.s32 s5, $0x0;
	s5 =	sld [smem:$0x3FAF]  }
0x2b: {  	s6 =	sld [smem:$0x3FB0]  }
0x2c: {  	s7 =	sld [smem:$0x3FB1]  }
0x2d: {  	s3 =	simm.s32 $0x108;
	s8 =	sld [smem:$0x3FB2]  }
0x2e: {  	s3 =	simm.s32 @!p0 $0x1082;
	s9 =	sld [smem:$0x3FB3]  }
0x2f: {  	lr =	sadd.s32 s0, s3;
	s0 =	sld [smem:$0x3FAA]  }
0x30: {  	s3 =	sld [smem:$0x3FAD]  }
0x31: {  	[smem:$0x3FB6] =	sst s10  }
0x32: {  	s10 =	sld [smem:$0x3FB4];
	_ =	sdelay $0x3  }
0x33: {  	p0 =	seq.s32 s10, $0x1;
	s10 =	sld [smem:$0x3FB6];
	_ =	sdelay $0x3  }
0x34: {  	[smem:$0x3FB6] =	sst s10  }
0x35: {  	s10 =	sld [smem:$0x3FB5];
	_ =	sdelay $0x3  }
0x36: {  	p1 =	seq.s32 s10, $0x1;
	s10 =	sld [smem:$0x3FB6];
	_ =	sdelay $0x3  }
0x37: {  	[smem:$0x3FB6] =	sst s10  }
0x38: {  	s10 =	sld [smem:$0x3FB7]  }
0x39: {  	_ = 	snop;
	(pc) =	sbr.ind lr, $3  }
0x3a: {  	_ = 	snop  }
0x3b: {  	_ = 	snop  }
0x3c: {  	p2 =	seq.s32 s10, $0x1;
	s10 =	sld [smem:$0x3FB6]  }
0x3d: {  	_ =	shalt  }
0x3e: {  	_ =	shalt  }
0x3f: {  	_ =	shalt  }
0x40: {  	_ =	shalt  }
0x41: {  	_ =	shalt  }
0x42: {  	_ =	shalt  }
0x43: {  	_ =	shalt  }
0x44: {  	_ =	shalt  }
0x45: {  	_ =	shalt  }
0x46: {  	_ =	shalt  }
0x47: {  	_ =	shalt  }
0x48: {  	_ =	shalt  }
0x49: {  	_ =	shalt  }
0x4a: {  	_ =	shalt  }
0x4b: {  	_ =	shalt  }
0x4c: {  	_ =	shalt  }
0x4d: {  	_ =	shalt  }
0x4e: {  	_ =	shalt  }
0x4f: {  	_ =	shalt  }
0x50: {  	_ =	shalt  }
0x51: {  	_ =	shalt  }
0x52: {  	_ =	shalt  }
0x53: {  	_ =	shalt  }
0x54: {  	_ =	shalt  }
0x55: {  	_ =	shalt  }
0x56: {  	_ =	shalt  }
0x57: {  	_ =	shalt  }
0x58: {  	_ =	shalt  }
0x59: {  	_ =	shalt  }
0x5a: {  	_ =	shalt  }
0x5b: {  	_ =	shalt  }
0x5c: {  	_ =	shalt  }
0x5d: {  	_ =	shalt  }
0x5e: {  	_ =	shalt  }
0x5f: {  	_ =	shalt  }
0x60: {  	_ =	shalt  }
0x61: {  	_ =	shalt  }
0x62: {  	_ =	shalt  }
0x63: {  	_ =	shalt  }
0x64: {  	_ =	shalt  }
0x65: {  	_ =	shalt  }
0x66: {  	_ =	shalt  }
0x67: {  	_ =	shalt  }
0x68: {  	_ =	shalt  }
0x69: {  	_ =	shalt  }
0x6a: {  	_ =	shalt  }
0x6b: {  	_ =	shalt  }
0x6c: {  	_ =	shalt  }
0x6d: {  	_ =	shalt  }
0x6e: {  	_ =	shalt  }
0x6f: {  	_ =	shalt  }
0x70: {  	_ =	shalt  }
0x71: {  	_ =	shalt  }
0x72: {  	_ =	shalt  }
0x73: {  	_ =	shalt  }
0x74: {  	_ =	shalt  }
0x75: {  	_ =	shalt  }
0x76: {  	_ =	shalt  }
0x77: {  	_ =	shalt  }
0x78: {  	_ =	shalt  }
0x79: {  	_ =	shalt  }
0x7a: {  	_ =	shalt  }
0x7b: {  	_ =	shalt  }
0x7c: {  	_ =	shalt  }
0x7d: {  	_ =	shalt  }
0x7e: {  	_ =	shalt  }
0x7f: {  	_ =	shalt  }
0x80: {  	_ =	shalt  }
0x81: {  	_ =	shalt  }
0x82: {  	_ =	shalt  }
0x83: {  	_ =	shalt  }
0x84: {  	_ =	shalt  }
0x85: {  	_ =	shalt  }
0x86: {  	_ =	shalt  }
0x87: {  	_ =	shalt  }
.Lfunc_end0:
.L_simem_size_0:
called_computation.2_lowered:
.L_overlay_start_0:
0x88: {  	s2 =	sld [smem:$0x3FD9]  }
0x89: {  	s3 =	sld [smem:$0x3FFE];
	_ =	sdelay $0x1  }
0x8a: {  	s1 =	srdreg.scid  }
0x8b: {  	s0 =	sand.u32 $0x1, s1  }
0x8c: {  	s17 =	sshll.u32 s0, $0xA;
	s2 =	sadd.s32 s3, s2  }
0x8d: {  	s2 =	sadd.s32 s2, s17  }
0x8e: {  	[smem:$0x3FC2] =	sst s2  }
0x8f: {  	_ = 	snop  }
0x90: {  	s2 =	sld [smem:$0x3FD0];
	(tm) =	ssettm $0x1  }
0x91: {  	s18 =	sld [smem:$0x3FFB];
	_ =	sdelay $0x3  }
0x92: {  	_ =	strace s18  }
0x93: {  	s3 =	sld [smem:$0x3FFC];
	_ =	sdelay $0x3  }
0x94: {  	_ =	strace s3  }
0x95: {  	s3 =	sld [smem:$0x3FFD];
	_ =	sdelay $0x3  }
0x96: {  	_ =	strace s3  }
0x97: {  	_ =	strace $0x8FFFFFFF  }
0x98: {  	s19 =	sld [smem:$0x3FDB];
	_ =	sdelay $0x1  }
0x99: {  	s4 =	simm.s32 $_scs_section_size  }
0x9a: {  	s5 =	simm.s32 $_size__tile_overlayer_lowered;
	s6 =	simm.s32 $_tile_overlayer_lowered  }
0x9b: {  	s22 =	simm.s32 $0x1BFF;
	s21 =	sshll.u32 s6, $0x1;
	s3 =	sadd.s32 s4, s19  }
0x9c: {  	s7 =	simm.s32 $0x0;
	s20 =	sshll.u32 s5, $0x1;
	s5 =	sadd.s32 s21, s3  }
0x9d: {  	[timem:s7], [sflag:s22] =	dma.local [hbm:s5], s20  }
0x9e: {  	_ =	swait.ge [sflag:s22], s20  }
0x9f: {  	s4 =	ssub.s32 $0x0, s20;
	[sflag:s22] =	ssyncset.done $0x0  }
0xa0: {  	[sflag:s22] =	ssyncadd.s32 s4;
	_ =	sdelay $0x1  }
0xa1: {  	s23 =	simm.s32 $0x1B8B  }
0xa2: {  	_ =	swait.ge [sflag:s23], $0x1  }
0xa3: {  	[sflag:s23] =	ssyncset.done $0x0  }
0xa4: {  	s25 =	simm.s32 $0x1B8E;
	s24 =	sld [smem:$0x3FFE];
	[sflag:s23] =	ssyncadd.s32 $0xFFFFFFFF  }
0xa5: {  	s26 =	simm.s32 $execute0_lowered;
	[smem:$0x3FD2] =	sst s25  }
0xa6: {  	s5 =	sshll.u32 s26, $0x1;
	_ =	strace $0x8000004C;
	[dreg:$0x1] =	wrdreg $0xFFFFFFFF  }
0xa7: {  	s28 =	simm.s32 $_size_execute0_lowered;
	s3 =	sadd.s32 s3, s5;
	[dreg:$0x0] =	wrdreg $0x0  }
0xa8: {  	s5 =	sshll.u32 s28, $0x1;
	[dreg:$0x2] =	wrdreg s3  }
0xa9: {  	[dreg:$0x3] =	wrdreg s5  }
0xaa: {  	[dreg:$0x4] =	wrdreg $0xC0  }
0xab: {  	_ =	task [dreg:s7], $0x5FFFF  }
0xac: {  	[dreg:$0x1] =	wrdreg $0xFFFFFFFF  }
0xad: {  	[dreg:$0x0] =	wrdreg $0x60  }
0xae: {  	[dreg:$0x2] =	wrdreg s2  }
0xaf: {  	[dreg:$0x3] =	wrdreg s24  }
0xb0: {  	[dreg:$0x4] =	wrdreg $0x0  }
0xb1: {  	[dreg:$0x5] =	wrdreg $0x9  }
0xb2: {  	_ =	task.clear_ibuf [dreg:s7], $0x6FFFF;
	_ =	strace $0x9000004C  }
0xb3: {  	s29 =	simm.s32 $0x9;
	_ =	strace $0x8000004E  }
0xb4: {  	_ =	swait.ge [sflag:s29], $0x1  }
0xb5: {  	[sflag:s29] =	ssyncadd.s32 $0xFFFFFFFF  }
0xb6: {  	_ =	strace $0x9000004E  }
0xb7: {  	_ =	sfence  }
0xb8: {  	s30 =	sld [smem:$0x0];
	_ =	sdelay $0x2  }
0xb9: {  	s31 =	sshll.u32 s1, $0xD;
	s1 =	sshrl.u32 s1, $0x2  }
0xba: {  	s3 =	sand.u32 $0x4000, s31;
	s1 =	sadd.s32 s1, s30  }
0xbb: {  	s0 =	sor.u32 s3, s0;
	s1 =	sshll.u32 s1, $0x11  }
0xbc: {  	s0 =	sor.u32 s1, s0  }
0xbd: {  	s0 =	sadd.s32 $0x8F2B, s0  }
0xbe: {  	[sflag:s0] =	ssyncadd.remote.s32 $0x1  }
0xbf: {  	_ =	sfence.sel $0xFFFF  }
0xc0: {  	[dreg:$0x0] =	wrdreg $0xFFFFFFFF;
	(pc) =	sbr.abs _section_cstart, $3  }
0xc1: {  	[dreg:$0x1] =	wrdreg $0xFFFFFFFF  }
0xc2: {  	_ =	task.clear_ibuf [dreg:s7], $0x2FFFF;
	_ =	strace $0x9FFFFFFF  }
0xc3: {  	(tm) =	ssettm $0x7FFFFFFF  }
tec
execute0_lowered:
.L_overlay_start_1:
0x0: {  	(tag) =	ssettag $0x1  }
0x1: {  	s1 =	rddreg [dreg:$0x0]  }
0x2: {  	s7 =	rddreg [dreg:$0x1]  }
0x3: {  	s3 =	rddreg [dreg:$0x2]  }
0x4: {  	s0 =	rddreg [dreg:$0x3];
	s5 =	srdreg.scid  }
0x5: {  	s4 =	simm.s32 $0x0;
	s2 =	stileid.u32;
	s16 =	simm.s32 $0x13C80  }
0x6: {  	s17 =	simm.s32 $0x1;
	s18 =	simm.s32 $0x80;
	s19 =	simm.s32 $0x17D00  }
0x7: {  	s20 =	simm.s32 $0x2;
	s21 =	simm.s32 $0x1BD00;
	s22 =	simm.s32 $0x3  }
0x8: {  	s23 =	simm.s32 $0x4;
	s24 =	simm.s32 $0x0;
	s10 =	sand.u32 $0x1, s5  }
0x9: {  	s6 =	sshll.u32 s2, $0xE;
	s8 =	smul.u32 $0x13C00, s2;
	[smem:$0x7FF] =	sst s4  }
0xa: {  	s13 =	smul.u32 $0x4F000, s2;
	s31 =	sshll.u32 s2, $0x6;
	s5 =	sshll.u32 s10, $0x12  }
0xb: {  	s9 =	smul.u32 $0x13C000, s10;
	_ =	strace $0x8000004D;
	s28 =	ssub.s32 $0x2, s10  }
0xc: {  	p0 =	seq.s32 s10, $0x0;
	s10 =	simm.s32 $0x3E00;
	s5 =	sor.u32 s6, s5  }
0xd: {  	s6 =	sadd.s32 $0x88800, s7;
	s12 =	sshrl.u32 s8, $0x3;
	s29 =	sshrl.u32 s28, $0x1  }
0xe: {  	s30 =	sshrl.u32 s13, $0x2;
	s10 =	simm.s32 @!p0 $0x1200;
	s11 =	sshrl.u32 s5, $0x3  }
0xf: {  	s8 =	sadd.s32 s8, s9;
	s12 =	sadd.s32 s12, s7;
	s15 =	ssub.s32 s28, s29  }
0x10: {  	s13 =	sadd.s32 s30, s3;
	s11 =	sadd.s32 s11, s7;
	s8 =	sshrl.u32 s8, $0x3  }
0x11: {  	s13 =	sshrl.u32 s13, $0x3;
	s14 =	sadd.s32 s8, s7;
	s7 =	sadd.s32 $0x2000, s12  }
0x12: {  	s8 =	sor.u32 $0x1C05, s31;
	s9 =	sadd.s32 $0x78800, s11;
	s12 =	smax.u32 s15, $0x1  }
0x13: {  	s15 =	simm.s32 $0x13C00;
	s11 =	sadd.s32 $0x29800, s14;
	s14 =	simm.s32 $0x5  }
.LBB2_1:
0x14: {  	[spmem:s13], [sflag:s8] =	dma.local [hbm:s7], $0x2780  }
0x15: {  	_ =	swait.ge [sflag:s14], $0x2780  }
0x16: {  	s25 =	simm.s32 $0x13D00;
	[sflag:s14] =	ssyncset.done $0x0  }
0x17: {  	s30 =	simm.s32 $0x100;
	p1 =	sne.s32 s10, $0x100;
	[sflag:s14] =	ssyncadd.s32 $0xFFFFD880  }
0x18: {  	[tilespmem:s25], [sflag:$0x5] =	stream.linear.gather [hbm4b:s9+s4], $0x3E00, $0x38;
	[tilespmem:$0x1FD00] =	vst v63  }
.Ltmp0:
0x19: {  	s26 =	simm.s32 $0x80;
	_ =	swait.ge [sflag:s14], $0x3E00;
	(pc) =	sbr.rel @!p1 .LBB2_2-.Ltmp0, $4  }
0x1a: {  	s28 =	sand.u32 $0xFFFFFC00, s4;
	s29 =	sand.u32 $0x300, s4;
	[sflag:s14] =	ssyncset.done $0x0  }
0x1b: {  	s28 =	sadd.s32 s5, s28;
	s26 =	sand.u32 $0x380, s26;
	[sflag:s14] =	ssyncadd.s32 $0xFFFFC200  }
0x1c: {  	s29 =	sor.u32 s29, s28;
	s26 =	sor.u32 s28, s26;
	[bflag:$0x0] =	sbarrier.arrive $0xFFFF  }
0x1d: {  	p0 =	por $0x0, $0x0;
	s31 =	sshrl.u32 s29, $0x3;
	s29 =	sshrl.u32 s26, $0x3  }
0x1e: {  	s26 =	sadd.s32 s6, s31  }
0x1f: {  	[tilespmem:s15], [sflag:$0x1] =	stream.linear.gather [hbm4b:s26+s4], $0x80, $0x38;
	[tilespmem:$0x1FD00] =	vst v63  }
0x20: {  	s26 =	sadd.s32 s6, s29  }
0x21: {  	[tilespmem:s16], [sflag:$0x2] =	stream.linear.gather [hbm4b:s26+s4], $0x80, $0x38;
	[tilespmem:$0x1FD00] =	vst v63  }
0x22: {  	_ =	swait.ge [sflag:s17], $0x80  }
0x23: {  	[sflag:s17] =	ssyncset.done $0x0  }
0x24: {  	[sflag:s17] =	ssyncadd.s32 $0xFFFFFF80  }
0x25: {  	[tilespmem:s19], [sflag:$0x3] =	stream.indirect.gather [hbm4b:s1+s18], $0x80, s15, s18, $0xb8;
	[tilespmem:$0x1FD00] =	vst v63  }
0x26: {  	_ =	swait.ge [sflag:s20], $0x80  }
0x27: {  	[sflag:s20] =	ssyncset.done $0x0  }
0x28: {  	[sflag:s20] =	ssyncadd.s32 $0xFFFFFF80  }
0x29: {  	[tilespmem:s21], [sflag:$0x4] =	stream.indirect.gather [hbm4b:s1+s18], $0x80, s16, s18, $0xb8;
	[tilespmem:$0x1FD00] =	vst v63  }
0x2a: {  	_ =	swait.ge [sflag:s22], $0x4000  }
0x2b: {  	p1 =	sne.s32 s10, $0x200;
	[sflag:s22] =	ssyncset.done $0x0  }
0x2c: {  	s28 =	simm.s32 $0x13D80;
	s31 =	sand.u32 $0xFFFFFC00, s30;
	[sflag:s22] =	ssyncadd.s32 $0xFFFFC000  }
0x2d: {  	[spmem:s3] =	stream.indirect.scatter.add.f32 [tilespmem:s19], [sflag:$0x5], $0x80, s25, s18, $0xb8;
	[tilespmem:$0x1FD00] =	vst v63  }
0x2e: {  	s30 =	sand.u32 $0x300, s30;
	p0 =	por $0x1, $0x1;
	_ =	swait.ge [sflag:s14], $0x4000  }
.Ltmp1:
0x2f: {  	s29 =	simm.s32 $0x180;
	[sflag:s14] =	ssyncset.done $0x0;
	(pc) =	sbr.rel @!p1 .LBB2_5-.Ltmp1, $4  }
0x30: {  	s31 =	sadd.s32 s5, s31;
	s29 =	sand.u32 $0x380, s29;
	[sflag:s14] =	ssyncadd.s32 $0xFFFFC000  }
0x31: {  	s30 =	sor.u32 s30, s31;
	s26 =	simm.s32 $0x200;
	_ =	swait.ge [sflag:s23], $0x4000  }
0x32: {  	s29 =	sor.u32 s31, s29;
	s31 =	sshrl.u32 s30, $0x3;
	[sflag:s23] =	ssyncset.done $0x0  }
0x33: {  	s29 =	sshrl.u32 s29, $0x3;
	s25 =	simm.s32 $0x13E00;
	[sflag:s23] =	ssyncadd.s32 $0xFFFFC000  }
.LBB2_4:
0x34: {  	[spmem:s3] =	stream.indirect.scatter.add.f32 [tilespmem:s21], [sflag:$0x5], $0x80, s28, s18, $0xb8;
	[tilespmem:$0x1FD00] =	vst v63  }
0x35: {  	s30 =	smov.u32 s26;
	s26 =	sadd.s32 $0x100, s26;
	_ =	swait.ge [sflag:s14], $0x4000  }
0x36: {  	p1 =	sne.s32 s10, s26;
	[sflag:s14] =	ssyncset.done $0x0  }
0x37: {  	s28 =	sadd.s32 s6, s31;
	[sflag:s14] =	ssyncadd.s32 $0xFFFFC000  }
0x38: {  	[tilespmem:s15], [sflag:$0x1] =	stream.linear.gather [hbm4b:s28+s4], $0x80, $0x38;
	[tilespmem:$0x1FD00] =	vst v63  }
0x39: {  	s28 =	sadd.s32 s6, s29  }
0x3a: {  	[tilespmem:s16], [sflag:$0x2] =	stream.linear.gather [hbm4b:s28+s4], $0x80, $0x38;
	[tilespmem:$0x1FD00] =	vst v63  }
0x3b: {  	_ =	swait.ge [sflag:s17], $0x80  }
0x3c: {  	[sflag:s17] =	ssyncset.done $0x0  }
0x3d: {  	[sflag:s17] =	ssyncadd.s32 $0xFFFFFF80  }
0x3e: {  	[tilespmem:s19], [sflag:$0x3] =	stream.indirect.gather [hbm4b:s1+s18], $0x80, s15, s18, $0xb8;
	[tilespmem:$0x1FD00] =	vst v63  }
0x3f: {  	_ =	swait.ge [sflag:s20], $0x80  }
0x40: {  	[sflag:s20] =	ssyncset.done $0x0  }
0x41: {  	[sflag:s20] =	ssyncadd.s32 $0xFFFFFF80  }
0x42: {  	[tilespmem:s21], [sflag:$0x4] =	stream.indirect.gather [hbm4b:s1+s18], $0x80, s16, s18, $0xb8;
	[tilespmem:$0x1FD00] =	vst v63  }
0x43: {  	_ =	swait.ge [sflag:s22], $0x4000  }
0x44: {  	[sflag:s22] =	ssyncset.done $0x0  }
0x45: {  	[sflag:s22] =	ssyncadd.s32 $0xFFFFC000  }
0x46: {  	[spmem:s3] =	stream.indirect.scatter.add.f32 [tilespmem:s19], [sflag:$0x5], $0x80, s25, s18, $0xb8;
	[tilespmem:$0x1FD00] =	vst v63  }
0x47: {  	s28 =	sadd.s32 $0x80, s25;
	s25 =	sadd.s32 $0x100, s25;
	_ =	swait.ge [sflag:s14], $0x4000  }
.Ltmp2:
0x48: {  	s29 =	sadd.s32 $0x80, s30;
	[sflag:s14] =	ssyncset.done $0x0;
	(pc) =	sbr.rel @p1 .LBB2_4-.Ltmp2, $4  }
0x49: {  	s31 =	sand.u32 $0xFFFFFC00, s30;
	s30 =	sand.u32 $0x300, s30;
	[sflag:s14] =	ssyncadd.s32 $0xFFFFC000  }
0x4a: {  	s31 =	sadd.s32 s5, s31;
	s29 =	sand.u32 $0x380, s29;
	_ =	swait.ge [sflag:s23], $0x4000  }
0x4b: {  	s30 =	sor.u32 s30, s31;
	s29 =	sor.u32 s31, s29;
	[sflag:s23] =	ssyncset.done $0x0  }
0x4c: {  	s31 =	sshrl.u32 s30, $0x3;
	s29 =	sshrl.u32 s29, $0x3;
	[sflag:s23] =	ssyncadd.s32 $0xFFFFC000  }
.LBB2_5:
0x4d: {  	[spmem:s3] =	stream.indirect.scatter.add.f32 @p0 [tilespmem:s21], [sflag:$0x5], $0x80, s28, s18, $0xb8;
	[tilespmem:$0x1FD00] =	vst v63  }
0x4e: {  	_ =	swait.ge @p0 [sflag:s14], $0x4000  }
0x4f: {  	[sflag:s14] =	ssyncset.done @p0 $0x0  }
0x50: {  	s26 =	sadd.s32 s6, s31;
	[sflag:s14] =	ssyncadd.s32 @p0 $0xFFFFC000  }
0x51: {  	[tilespmem:s15], [sflag:$0x1] =	stream.linear.gather [hbm4b:s26+s4], $0x80, $0x38;
	[tilespmem:$0x1FD00] =	vst v63  }
0x52: {  	s30 =	sadd.s32 s6, s29  }
0x53: {  	[tilespmem:s16], [sflag:$0x2] =	stream.linear.gather [hbm4b:s30+s4], $0x80, $0x38;
	[tilespmem:$0x1FD00] =	vst v63  }
0x54: {  	_ =	swait.ge [sflag:s17], $0x80  }
0x55: {  	[sflag:s17] =	ssyncset.done $0x0  }
0x56: {  	[sflag:s17] =	ssyncadd.s32 $0xFFFFFF80  }
0x57: {  	[tilespmem:s19], [sflag:$0x3] =	stream.indirect.gather [hbm4b:s1+s18], $0x80, s15, s18, $0xb8;
	[tilespmem:$0x1FD00] =	vst v63  }
0x58: {  	_ =	swait.ge [sflag:s20], $0x80  }
0x59: {  	[sflag:s20] =	ssyncset.done $0x0  }
0x5a: {  	[sflag:s20] =	ssyncadd.s32 $0xFFFFFF80  }
0x5b: {  	[tilespmem:s21], [sflag:$0x4] =	stream.indirect.gather [hbm4b:s1+s18], $0x80, s16, s18, $0xb8;
	[tilespmem:$0x1FD00] =	vst v63  }
0x5c: {  	_ =	swait.ge [sflag:s22], $0x4000  }
0x5d: {  	[sflag:s22] =	ssyncset.done $0x0  }
0x5e: {  	[sflag:s22] =	ssyncadd.s32 $0xFFFFC000  }
0x5f: {  	[spmem:s3] =	stream.indirect.scatter.add.f32 [tilespmem:s19], [sflag:$0x5], $0x80, s25, s18, $0xb8;
	[tilespmem:$0x1FD00] =	vst v63  }
0x60: {  	_ =	swait.ge [sflag:s14], $0x4000  }
0x61: {  	[sflag:s14] =	ssyncset.done $0x0  }
0x62: {  	[sflag:s14] =	ssyncadd.s32 $0xFFFFC000  }
0x63: {  	_ =	swait.ge [sflag:s23], $0x4000  }
0x64: {  	[sflag:s23] =	ssyncset.done $0x0  }
0x65: {  	s31 =	sadd.s32 $0x80, s25;
	[sflag:s23] =	ssyncadd.s32 $0xFFFFC000  }
0x66: {  	[spmem:s3] =	stream.indirect.scatter.add.f32 [tilespmem:s21], [sflag:$0x5], $0x80, s31, s18, $0xb8;
	[tilespmem:$0x1FD00] =	vst v63  }
0x67: {  	_ =	swait.ge [sflag:s14], $0x4000  }
0x68: {  	[sflag:s14] =	ssyncset.done $0x0  }
0x69: {  	s24 =	sadd.s32 $0x1, s24;
	[sflag:s14] =	ssyncadd.s32 $0xFFFFC000  }
0x6a: {  	p0 =	sne.s32 s24, s12;
	[bflag:$0x0] =	sbarrier.arrive $0xFFFF  }
0x6b: {  	[hbm:s11], [sflag:s8] =	dma.local [spmem:s13], $0x2780  }
.Ltmp3:
0x6c: {  	_ = 	snop;
	(pc) =	sbr.rel @p0 .LBB2_1-.Ltmp3, $4  }
.Ltmp4:
0x6d: {  	_ = 	snop;
	(pc) =	sbr.rel @!p0 .LBB2_6-.Ltmp4, $4  }
0x6e: {  	_ =	swait.ge [sflag:s14], $0x2780  }
0x6f: {  	[sflag:s14] =	ssyncset.done $0x0  }
0x70: {  	[sflag:s14] =	ssyncadd.s32 $0xFFFFD880  }
0x71: {  	_ = 	snop  }
.LBB2_2:
.Ltmp5:
0x72: {  	(pc) =	sbr.rel .LBB2_5-.Ltmp5, $2  }
0x73: {  	_ =	sdelay $0x2  }
0x74: {  	_ = 	snop  }
.LBB2_6:
0x75: {  	_ =	sfence.sel $0x180000  }
0x76: {  	[bflag:$0x0] =	sbarrier.arrive $0xFFFF  }
0x77: {  	p0 =	sne.s32 s2, $0x0;
	_ =	strace $0x9000004D  }
0x78: {  	s0 =	sadd.s32 @!p0 $0x100000, s0;
	[bflag:$0x2] =	sbarrier.arrive $0xFFFF  }
0x79: {  	[sflag:s0] =	ssyncadd.tile.s32 @!p0 $0x1;
	_ =	shalt  }
.Lfunc_end2:
_tile_overlayer_lowered:
.L_overlay_start_2:
0x7a: {  	(tag) =	ssettag $0x2  }
0x7b: {  	s0 =	rddreg [dreg:$0x0];
	s2 =	stileid.u32  }
0x7c: {  	s1 =	rddreg [dreg:$0x1];
	p0 =	sne.s32 s2, $0x0  }
0x7d: {  	s3 =	rddreg [dreg:$0x2];
	[bflag:$0x3] =	sbarrier.arrive $0xFFFF;
	s2 =	simm.s32 @!p0 $0x1C05  }
0x7e: {  	[timem:s3], [sflag:s2] =	dma.local @!p0 [hbm:s0], s1  }
0x7f: {  	s0 =	simm.s32 @!p0 $0x5  }
0x80: {  	_ =	swait.ge @!p0 [sflag:s0], s1  }
0x81: {  	s1 =	ssub.s32 @!p0 $0x0, s1;
	[sflag:s0] =	ssyncset.done @!p0 $0x0  }
0x82: {  	[sflag:s0] =	ssyncadd.s32 @!p0 s1  }
0x83: {  	[bflag:$0x3] =	sbarrier.arrive $0xFFFF  }
0x84: {  	_ =	shalt  }

// kernel: _run.9.cloned.1.call-start
scs
__scs_entry_jumppad:
0x0: {  	(pc) =	sbr.rel $0x88, $3  }
0x1: {  	(tag) =	ssettag $0x0;
	lr =	simm.s32 $0x1  }
0x2: {  	[smem:$0x3F9B] =	sst lr;
	_ =	strace $0xD0000000  }
0x3: {  	_ = 	snop  }
0x4: {  	_ = 	snop  }
0x5: {  	_ = 	snop  }
0x6: {  	_ = 	snop  }
0x7: {  	_ = 	snop  }
__scs_overlays_trampoline_lowered:
0x8: {  	[smem:$0x3FAA] =	sst s0  }
0x9: {  	[smem:$0x3FAB] =	sst s1  }
0xa: {  	[smem:$0x3FAC] =	sst s2  }
0xb: {  	[smem:$0x3FAD] =	sst s3  }
0xc: {  	[smem:$0x3FAE] =	sst s4  }
0xd: {  	[smem:$0x3FAF] =	sst s5  }
0xe: {  	[smem:$0x3FB0] =	sst s6  }
0xf: {  	[smem:$0x3FB1] =	sst s7  }
0x10: {  	[smem:$0x3FB2] =	sst s8  }
0x11: {  	[smem:$0x3FB3] =	sst s9;
	s0 =	simm.s32 @!p0 $0x0  }
0x12: {  	s1 =	sld [smem:$0x3F99];
	s0 =	simm.s32 @p0 $0x1  }
0x13: {  	[smem:$0x3FB4] =	sst s0;
	s0 =	simm.s32 @!p1 $0x0  }
0x14: {  	s2 =	sld [smem:$0x3F98];
	s0 =	simm.s32 @p1 $0x1  }
0x15: {  	[smem:$0x3FB5] =	sst s0;
	s0 =	simm.s32 @!p2 $0x0  }
0x16: {  	s3 =	sld [smem:$0x3FDB];
	s0 =	simm.s32 @p2 $0x1  }
0x17: {  	s4 =	simm.s32 $0x1BF5;
	[smem:$0x3FB7] =	sst s0  }
0x18: {  	s0 =	sld [smem:$0x3F9A];
	_ =	swait.ge [sflag:s4], $0x0  }
0x19: {  	s7 =	sld [smem:$0x3F9B]  }
0x1a: {  	s8 =	sadd.s32 $0xFFFFE003, lr  }
0x1b: {  	s9 =	sadd.s32 $0xFFFFFEF7, lr;
	s5 =	simm.s32 $0xFFFFFFFF;
	p2 =	slt.u32 s8, $0xFFFFF086  }
0x1c: {  	p1 =	slt.u32 s9, $0xF7A;
	s5 =	simm.s32 @!p2 $0x0  }
0x1d: {  	s5 =	simm.s32 @p1 $0x1;
	p0 =	seq.s32 s7, s2  }
0x1e: {  	s7 =	smul.u32 @!p0 $0xF7A, s2;
	p2 =	seq.s32 @!p0 s5, $0x0  }
0x1f: {  	s9 =	smul.u32 $0xF7A, s1;
	s8 =	simm.s32 @!p0 $0x1BF5;
	p2 =	por !p2, p0  }
0x20: {  	[sflag:s8] =	ssyncset.s32 @!p0 $0xFFFFF086;
	s6 =	sadd.s32 @!p0 s3, s7;
	s7 =	simm.s32 @!p0 $0x108  }
0x21: {  	s3 =	sadd.s32 s3, s9;
	s6 =	sadd.s32 @!p0 $0x88, s6;
	s7 =	simm.s32 @p2 $0x1082  }
0x22: {  	[simem:s7], [sflag:s8] =	dma.local @!p0 [hbm:s6], $0xF7A  }
0x23: {  	s9 =	sor.u32 $0xD0000000, s2;
	s6 =	simm.s32 $0x108;
	_ =	swait.ge @!p0 [sflag:s8], $0x0  }
0x24: {  	s3 =	sadd.s32 $0x88, s3;
	s6 =	simm.s32 @!p1 $0x1082;
	[sflag:s4] =	ssyncset.s32 $0xFFFFF086  }
0x25: {  	[simem:s6], [sflag:s4] =	dma.local [hbm:s3], $0xF7A  }
0x26: {  	[smem:$0x3F9B] =	sst s1;
	(tag) =	ssettag s2;
	_ =	strace s9  }
0x27: {  	s1 =	sld [smem:$0x3FAB]  }
0x28: {  	s2 =	sld [smem:$0x3FAC]  }
0x29: {  	s4 =	sld [smem:$0x3FAE]  }
0x2a: {  	p0 =	seq.s32 s5, $0x0;
	s5 =	sld [smem:$0x3FAF]  }
0x2b: {  	s6 =	sld [smem:$0x3FB0]  }
0x2c: {  	s7 =	sld [smem:$0x3FB1]  }
0x2d: {  	s3 =	simm.s32 $0x108;
	s8 =	sld [smem:$0x3FB2]  }
0x2e: {  	s3 =	simm.s32 @!p0 $0x1082;
	s9 =	sld [smem:$0x3FB3]  }
0x2f: {  	lr =	sadd.s32 s0, s3;
	s0 =	sld [smem:$0x3FAA]  }
0x30: {  	s3 =	sld [smem:$0x3FAD]  }
0x31: {  	[smem:$0x3FB6] =	sst s10  }
0x32: {  	s10 =	sld [smem:$0x3FB4];
	_ =	sdelay $0x3  }
0x33: {  	p0 =	seq.s32 s10, $0x1;
	s10 =	sld [smem:$0x3FB6];
	_ =	sdelay $0x3  }
0x34: {  	[smem:$0x3FB6] =	sst s10  }
0x35: {  	s10 =	sld [smem:$0x3FB5];
	_ =	sdelay $0x3  }
0x36: {  	p1 =	seq.s32 s10, $0x1;
	s10 =	sld [smem:$0x3FB6];
	_ =	sdelay $0x3  }
0x37: {  	[smem:$0x3FB6] =	sst s10  }
0x38: {  	s10 =	sld [smem:$0x3FB7]  }
0x39: {  	_ = 	snop;
	(pc) =	sbr.ind lr, $3  }
0x3a: {  	_ = 	snop  }
0x3b: {  	_ = 	snop  }
0x3c: {  	p2 =	seq.s32 s10, $0x1;
	s10 =	sld [smem:$0x3FB6]  }
0x3d: {  	_ =	shalt  }
0x3e: {  	_ =	shalt  }
0x3f: {  	_ =	shalt  }
0x40: {  	_ =	shalt  }
0x41: {  	_ =	shalt  }
0x42: {  	_ =	shalt  }
0x43: {  	_ =	shalt  }
0x44: {  	_ =	shalt  }
0x45: {  	_ =	shalt  }
0x46: {  	_ =	shalt  }
0x47: {  	_ =	shalt  }
0x48: {  	_ =	shalt  }
0x49: {  	_ =	shalt  }
0x4a: {  	_ =	shalt  }
0x4b: {  	_ =	shalt  }
0x4c: {  	_ =	shalt  }
0x4d: {  	_ =	shalt  }
0x4e: {  	_ =	shalt  }
0x4f: {  	_ =	shalt  }
0x50: {  	_ =	shalt  }
0x51: {  	_ =	shalt  }
0x52: {  	_ =	shalt  }
0x53: {  	_ =	shalt  }
0x54: {  	_ =	shalt  }
0x55: {  	_ =	shalt  }
0x56: {  	_ =	shalt  }
0x57: {  	_ =	shalt  }
0x58: {  	_ =	shalt  }
0x59: {  	_ =	shalt  }
0x5a: {  	_ =	shalt  }
0x5b: {  	_ =	shalt  }
0x5c: {  	_ =	shalt  }
0x5d: {  	_ =	shalt  }
0x5e: {  	_ =	shalt  }
0x5f: {  	_ =	shalt  }
0x60: {  	_ =	shalt  }
0x61: {  	_ =	shalt  }
0x62: {  	_ =	shalt  }
0x63: {  	_ =	shalt  }
0x64: {  	_ =	shalt  }
0x65: {  	_ =	shalt  }
0x66: {  	_ =	shalt  }
0x67: {  	_ =	shalt  }
0x68: {  	_ =	shalt  }
0x69: {  	_ =	shalt  }
0x6a: {  	_ =	shalt  }
0x6b: {  	_ =	shalt  }
0x6c: {  	_ =	shalt  }
0x6d: {  	_ =	shalt  }
0x6e: {  	_ =	shalt  }
0x6f: {  	_ =	shalt  }
0x70: {  	_ =	shalt  }
0x71: {  	_ =	shalt  }
0x72: {  	_ =	shalt  }
0x73: {  	_ =	shalt  }
0x74: {  	_ =	shalt  }
0x75: {  	_ =	shalt  }
0x76: {  	_ =	shalt  }
0x77: {  	_ =	shalt  }
0x78: {  	_ =	shalt  }
0x79: {  	_ =	shalt  }
0x7a: {  	_ =	shalt  }
0x7b: {  	_ =	shalt  }
0x7c: {  	_ =	shalt  }
0x7d: {  	_ =	shalt  }
0x7e: {  	_ =	shalt  }
0x7f: {  	_ =	shalt  }
0x80: {  	_ =	shalt  }
0x81: {  	_ =	shalt  }
0x82: {  	_ =	shalt  }
0x83: {  	_ =	shalt  }
0x84: {  	_ =	shalt  }
0x85: {  	_ =	shalt  }
0x86: {  	_ =	shalt  }
0x87: {  	_ =	shalt  }
.Lfunc_end0:
.L_simem_size_0:
called_computation_lowered:
.L_overlay_start_0:
0x88: {  	s2 =	sld [smem:$0x3FD9]  }
0x89: {  	s3 =	sld [smem:$0x3FFE];
	_ =	sdelay $0x1  }
0x8a: {  	s1 =	srdreg.scid  }
0x8b: {  	s0 =	sand.u32 $0x1, s1  }
0x8c: {  	s17 =	sshll.u32 s0, $0xA;
	s2 =	sadd.s32 s3, s2  }
0x8d: {  	s2 =	sadd.s32 s2, s17  }
0x8e: {  	[smem:$0x3FC2] =	sst s2  }
0x8f: {  	_ = 	snop  }
0x90: {  	s2 =	sld [smem:$0x3FD0];
	(tm) =	ssettm $0x1  }
0x91: {  	s18 =	sld [smem:$0x3FFB];
	_ =	sdelay $0x3  }
0x92: {  	_ =	strace s18  }
0x93: {  	s3 =	sld [smem:$0x3FFC];
	_ =	sdelay $0x3  }
0x94: {  	_ =	strace s3  }
0x95: {  	s3 =	sld [smem:$0x3FFD];
	_ =	sdelay $0x3  }
0x96: {  	_ =	strace s3  }
0x97: {  	_ =	strace $0x8FFFFFFF  }
0x98: {  	s19 =	sld [smem:$0x3FDB];
	_ =	sdelay $0x1  }
0x99: {  	s4 =	simm.s32 $_scs_section_size  }
0x9a: {  	s5 =	simm.s32 $_size__tile_overlayer_lowered;
	s6 =	simm.s32 $_tile_overlayer_lowered  }
0x9b: {  	s22 =	simm.s32 $0x1BFF;
	s21 =	sshll.u32 s6, $0x1;
	s3 =	sadd.s32 s4, s19  }
0x9c: {  	s7 =	simm.s32 $0x0;
	s20 =	sshll.u32 s5, $0x1;
	s5 =	sadd.s32 s21, s3  }
0x9d: {  	[timem:s7], [sflag:s22] =	dma.local [hbm:s5], s20  }
0x9e: {  	_ =	swait.ge [sflag:s22], s20  }
0x9f: {  	s4 =	ssub.s32 $0x0, s20;
	[sflag:s22] =	ssyncset.done $0x0  }
0xa0: {  	[sflag:s22] =	ssyncadd.s32 s4;
	_ =	sdelay $0x1  }
0xa1: {  	s23 =	simm.s32 $0x1B8B  }
0xa2: {  	_ =	swait.ge [sflag:s23], $0x1  }
0xa3: {  	[sflag:s23] =	ssyncset.done $0x0  }
0xa4: {  	s25 =	simm.s32 $0x1B8E;
	s24 =	sld [smem:$0x3FFE];
	[sflag:s23] =	ssyncadd.s32 $0xFFFFFFFF  }
0xa5: {  	s26 =	simm.s32 $execute0_lowered;
	[smem:$0x3FD2] =	sst s25  }
0xa6: {  	s5 =	sshll.u32 s26, $0x1;
	_ =	strace $0x80000046;
	[dreg:$0x1] =	wrdreg $0xFFFFFFFF  }
0xa7: {  	s28 =	simm.s32 $_size_execute0_lowered;
	s3 =	sadd.s32 s3, s5;
	[dreg:$0x0] =	wrdreg $0x0  }
0xa8: {  	s5 =	sshll.u32 s28, $0x1;
	[dreg:$0x2] =	wrdreg s3  }
0xa9: {  	[dreg:$0x3] =	wrdreg s5  }
0xaa: {  	[dreg:$0x4] =	wrdreg $0xC0  }
0xab: {  	_ =	task [dreg:s7], $0x5FFFF  }
0xac: {  	[dreg:$0x1] =	wrdreg $0xFFFFFFFF  }
0xad: {  	[dreg:$0x0] =	wrdreg $0x60  }
0xae: {  	[dreg:$0x2] =	wrdreg s2  }
0xaf: {  	[dreg:$0x3] =	wrdreg s24  }
0xb0: {  	[dreg:$0x4] =	wrdreg $0x0  }
0xb1: {  	[dreg:$0x5] =	wrdreg $0x9  }
0xb2: {  	_ =	task.clear_ibuf [dreg:s7], $0x6FFFF;
	_ =	strace $0x90000046  }
0xb3: {  	s29 =	simm.s32 $0x9;
	_ =	strace $0x80000048  }
0xb4: {  	_ =	swait.ge [sflag:s29], $0x1  }
0xb5: {  	[sflag:s29] =	ssyncadd.s32 $0xFFFFFFFF  }
0xb6: {  	_ =	strace $0x90000048  }
0xb7: {  	_ =	sfence  }
0xb8: {  	s30 =	sld [smem:$0x0];
	_ =	sdelay $0x2  }
0xb9: {  	s31 =	sshll.u32 s1, $0xD;
	s1 =	sshrl.u32 s1, $0x2  }
0xba: {  	s3 =	sand.u32 $0x4000, s31;
	s1 =	sadd.s32 s1, s30  }
0xbb: {  	s0 =	sor.u32 s3, s0;
	s1 =	sshll.u32 s1, $0x11  }
0xbc: {  	s0 =	sor.u32 s1, s0  }
0xbd: {  	s0 =	sadd.s32 $0x8F2B, s0  }
0xbe: {  	[sflag:s0] =	ssyncadd.remote.s32 $0x1  }
0xbf: {  	_ =	sfence.sel $0xFFFF  }
0xc0: {  	[dreg:$0x0] =	wrdreg $0xFFFFFFFF;
	(pc) =	sbr.abs _section_cstart, $3  }
0xc1: {  	[dreg:$0x1] =	wrdreg $0xFFFFFFFF  }
0xc2: {  	_ =	task.clear_ibuf [dreg:s7], $0x2FFFF;
	_ =	strace $0x9FFFFFFF  }
0xc3: {  	(tm) =	ssettm $0x7FFFFFFF  }
tec
execute0_lowered:
.L_overlay_start_1:
0x0: {  	(tag) =	ssettag $0x1  }
0x1: {  	s7 =	rddreg [dreg:$0x0]  }
0x2: {  	s5 =	rddreg [dreg:$0x1]  }
0x3: {  	s2 =	rddreg [dreg:$0x2]  }
0x4: {  	s0 =	rddreg [dreg:$0x3]  }
0x5: {  	s1 =	stileid.u32;
	s4 =	srdreg.scid  }
0x6: {  	s3 =	simm.s32 $0x0;
	s14 =	simm.s32 $0x80;
	s15 =	simm.s32 $0x0  }
0x7: {  	s6 =	smul.u32 $0x13C00, s1;
	s8 =	sand.u32 $0x1, s4;
	[smem:$0x7FF] =	sst s3  }
0x8: {  	s4 =	sadd.s32 $0x1800, s5;
	s12 =	smul.u32 $0x4F000, s1;
	s30 =	sshll.u32 s1, $0x6  }
0x9: {  	s9 =	smul.u32 $0x13C000, s8;
	_ =	strace $0x80000047;
	s26 =	ssub.s32 $0x2, s8  }
0xa: {  	s8 =	sshll.u32 s8, $0x4;
	s10 =	sshrl.u32 s6, $0x3;
	s11 =	sshrl.u32 s26, $0x1  }
0xb: {  	s28 =	sor.u32 s1, s8;
	s29 =	sshrl.u32 s12, $0x2;
	s6 =	sadd.s32 s6, s9  }
0xc: {  	s25 =	sadd.s32 s10, s5;
	s10 =	ssub.s32 s26, s11;
	s31 =	smul.u32 $0x500, s28  }
0xd: {  	s12 =	sadd.s32 s29, s2;
	s11 =	simm.s32 $0x1;
	s6 =	sshrl.u32 s6, $0x3  }
0xe: {  	s9 =	smax.u32 s10, $0x1;
	s10 =	sshrl.u32 s12, $0x3;
	s12 =	simm.s32 $0x16400  }
0xf: {  	s13 =	sadd.s32 s6, s5;
	s5 =	sadd.s32 $0x2000, s25;
	s6 =	sor.u32 $0x1C01, s30  }
0x10: {  	s7 =	sadd.s32 s7, s31;
	s8 =	sadd.s32 $0x29800, s13;
	s13 =	simm.s32 $0x13C00  }
.LBB2_1:
0x11: {  	[spmem:s10], [sflag:s6] =	dma.local [hbm:s5], $0x2780  }
0x12: {  	_ =	swait.ge [sflag:s11], $0x2780  }
0x13: {  	[sflag:s11] =	ssyncset.done $0x0  }
0x14: {  	[sflag:s11] =	ssyncadd.s32 $0xFFFFD880  }
0x15: {  	[tilespmem:s12], [sflag:$0x1] =	stream.linear.gather [hbm4b:s4+s3], $0x4000, $0x38;
	[tilespmem:$0x1A400] =	vst v63  }
0x16: {  	_ =	swait.ge [sflag:s11], $0x4000  }
0x17: {  	[sflag:s11] =	ssyncset.done $0x0  }
0x18: {  	[sflag:s11] =	ssyncadd.s32 $0xFFFFC000  }
0x19: {  	[tilespmem:s13], [sflag:$0x1] =	stream.linear.gather [hbm4b:s7+s3], $0x2800, $0x38;
	[tilespmem:$0x1A400] =	vst v63  }
0x1a: {  	_ =	swait.ge [sflag:s11], $0x2800  }
0x1b: {  	[sflag:s11] =	ssyncset.done $0x0  }
0x1c: {  	[sflag:s11] =	ssyncadd.s32 $0xFFFFD800  }
0x1d: {  	s16 =	simm.s32 $0x13C00;
	[bflag:$0x0] =	sbarrier.arrive $0xFFFF  }
0x1e: {  	[spmem:s2] =	stream.indirect.scatter.add.f32 [tilespmem:s12], [sflag:$0x1], $0x80, s16, s14, $0xb8;
	[tilespmem:$0x1A400] =	vst v63  }
0x1f: {  	s16 =	simm.s32 $0x200;
	_ =	swait.ge [sflag:s11], $0x4000  }
.LBB2_2:
0x20: {  	s17 =	sshra.s32 s16, $0x2;
	[sflag:s11] =	ssyncset.done $0x0;
	p0 =	sne.s32 s16, $0x9E00  }
.Ltmp0:
0x21: {  	s17 =	sadd.s32 $0x13C00, s17;
	[sflag:s11] =	ssyncadd.s32 $0xFFFFC000;
	(pc) =	sbr.rel @p0 .LBB2_2-.Ltmp0, $3  }
0x22: {  	[spmem:s2] =	stream.indirect.scatter.add.f32 [tilespmem:s12], [sflag:$0x1], $0x80, s17, s14, $0xb8;
	[tilespmem:$0x1A400] =	vst v63  }
0x23: {  	s16 =	sadd.s32 $0x200, s16;
	_ =	sdelay $0x1  }
0x24: {  	_ =	swait.ge [sflag:s11], $0x4000  }
0x25: {  	[sflag:s11] =	ssyncset.done $0x0;
	s15 =	sadd.s32 $0x1, s15  }
0x26: {  	[sflag:s11] =	ssyncadd.s32 $0xFFFFC000;
	p0 =	sne.s32 s15, s9  }
.Ltmp1:
0x27: {  	[bflag:$0x0] =	sbarrier.arrive $0xFFFF;
	(pc) =	sbr.rel @p0 .LBB2_1-.Ltmp1, $4  }
0x28: {  	[hbm:s8], [sflag:s6] =	dma.local [spmem:s10], $0x2780  }
0x29: {  	_ =	swait.ge [sflag:s11], $0x2780  }
0x2a: {  	[sflag:s11] =	ssyncset.done $0x0  }
0x2b: {  	[sflag:s11] =	ssyncadd.s32 $0xFFFFD880  }
0x2c: {  	_ =	sfence.sel $0x180000  }
0x2d: {  	[bflag:$0x0] =	sbarrier.arrive $0xFFFF  }
0x2e: {  	p0 =	sne.s32 s1, $0x0;
	_ =	strace $0x90000047  }
0x2f: {  	s0 =	sadd.s32 @!p0 $0x100000, s0;
	[bflag:$0x2] =	sbarrier.arrive $0xFFFF  }
0x30: {  	[sflag:s0] =	ssyncadd.tile.s32 @!p0 $0x1;
	_ =	shalt  }
.Lfunc_end2:
_tile_overlayer_lowered:
.L_overlay_start_2:
0x31: {  	(tag) =	ssettag $0x2  }
0x32: {  	s0 =	rddreg [dreg:$0x0];
	s2 =	stileid.u32  }
0x33: {  	s1 =	rddreg [dreg:$0x1];
	p0 =	sne.s32 s2, $0x0  }
0x34: {  	s3 =	rddreg [dreg:$0x2];
	[bflag:$0x3] =	sbarrier.arrive $0xFFFF;
	s2 =	simm.s32 @!p0 $0x1C01  }
0x35: {  	[timem:s3], [sflag:s2] =	dma.local @!p0 [hbm:s0], s1  }
0x36: {  	s0 =	simm.s32 @!p0 $0x1  }
0x37: {  	_ =	swait.ge @!p0 [sflag:s0], s1  }
0x38: {  	s1 =	ssub.s32 @!p0 $0x0, s1;
	[sflag:s0] =	ssyncset.done @!p0 $0x0  }
0x39: {  	[sflag:s0] =	ssyncadd.s32 @!p0 s1  }
0x3a: {  	[bflag:$0x3] =	sbarrier.arrive $0xFFFF  }
0x3b: {  	_ =	shalt  }

</sc_bundles>
